<compile_context>
chip_gen: v7x
topology: tpu7x:2x2x1
jax: 0.10.2.dev20260603
libtpu: 0.0.44.dev20260713+nightly
codegen_flags: <defaults>
</compile_context>

<pallas_src>
import functools

import jax
import jax.numpy as jnp
import numpy as np
from jax import lax
from jax.experimental import pallas as pl
from jax.experimental.pallas import tpu as pltpu
from jax.experimental.pallas import tpu_sc as plsc

N = 10000
E = 320000
D = 128
NC, NS = 2, 16
NW = NC * NS
CHUNK = 128
NCHUNK = 80
SUP = 40
EPW = NCHUNK * CHUNK
E_PAD = NW * EPW
N_PAD = 10240
ROWS_PER_TILE = N_PAD // NS

_MESH = plsc.VectorSubcoreMesh(core_axis_name="c", subcore_axis_name="s")

_PAD_CONST = np.broadcast_to(
    N + np.arange(E_PAD - E, dtype=np.int32) % (N_PAD - N), (2, E_PAD - E))


def _zero16():
    return jnp.zeros((16,), jnp.float32)


def _deg_body(rc_hbm, deg_out, idx_v, ones_v, zbuf_v, deg_sp, sem):
    cid = lax.axis_index("c")
    sid = lax.axis_index("s")
    wid = cid * NS + sid

    def fill_z(i, _):
        zbuf_v[pl.ds(i * 16, 16)] = _zero16()
        return 0

    lax.fori_loop(0, ROWS_PER_TILE // 16, fill_z, 0)

    def fill_one(i, _):
        ones_v[pl.ds(i * 16, 16)] = jnp.ones((16,), jnp.float32)
        return 0

    lax.fori_loop(0, CHUNK // 16, fill_one, 0)

    base = sid * ROWS_PER_TILE
    pltpu.sync_copy(zbuf_v, deg_sp.at[pl.ds(base, ROWS_PER_TILE)])
    pltpu.sync_copy(rc_hbm.at[0, wid], idx_v)
    plsc.subcore_barrier()

    def scat(j, _):
        pltpu.async_copy(ones_v, deg_sp.at[idx_v.at[j]], sem, add=True)
        return 0

    lax.fori_loop(0, NCHUNK, scat, 0)

    def drain(j, _):
        pltpu.make_async_copy(ones_v, deg_sp.at[idx_v.at[j]], sem).wait()
        return 0

    lax.fori_loop(0, NCHUNK, drain, 0)
    plsc.subcore_barrier()

    pltpu.sync_copy(deg_sp.at[pl.ds(base, ROWS_PER_TILE)], zbuf_v)
    pltpu.sync_copy(zbuf_v, deg_out.at[cid, pl.ds(base, ROWS_PER_TILE)])


_deg_kernel = functools.partial(
    pl.kernel,
    out_type=jax.ShapeDtypeStruct((NC, N_PAD), jnp.float32),
    mesh=_MESH,
    scratch_types=[
        pltpu.VMEM((NCHUNK, CHUNK), jnp.int32),
        pltpu.VMEM((CHUNK,), jnp.float32),
        pltpu.VMEM((ROWS_PER_TILE,), jnp.float32),
        pltpu.VMEM_SHARED((N_PAD,), jnp.float32),
        pltpu.SemaphoreType.DMA,
    ],
)(_deg_body)


def _edge_body(y_hbm, rc_hbm, acc_out, idx_r, idx_c, buf0, buf1,
               acc_sp, sem0, sem1):
    cid = lax.axis_index("c")
    sid = lax.axis_index("s")
    wid = cid * NS + sid

    def fill_z(i, _):
        r = i // (D // 16)
        c = i % (D // 16)
        buf0[r, pl.ds(c * 16, 16)] = _zero16()
        return 0

    lax.fori_loop(0, CHUNK * (D // 16), fill_z, 0)

    base = sid * ROWS_PER_TILE
    for k in range(ROWS_PER_TILE // CHUNK):
        pltpu.sync_copy(buf0, acc_sp.at[pl.ds(base + k * CHUNK, CHUNK)])

    plsc.subcore_barrier()

    def sup(s, _):
        pltpu.sync_copy(rc_hbm.at[0, wid, pl.ds(s * SUP, SUP)], idx_r)
        pltpu.sync_copy(rc_hbm.at[1, wid, pl.ds(s * SUP, SUP)], idx_c)
        pltpu.async_copy(y_hbm.at[idx_r.at[0]], buf0, sem0)
        pltpu.async_copy(y_hbm.at[idx_r.at[1]], buf1, sem1)

        def step(t, _):
            j0 = 2 * t
            pltpu.make_async_copy(y_hbm.at[idx_r.at[j0]], buf0, sem0).wait()
            pltpu.sync_copy(buf0, acc_sp.at[idx_c.at[j0]], add=True)

            @pl.when(j0 + 2 < SUP)
            def _():
                pltpu.async_copy(y_hbm.at[idx_r.at[j0 + 2]], buf0, sem0)

            pltpu.make_async_copy(y_hbm.at[idx_r.at[j0 + 1]], buf1, sem1).wait()
            pltpu.sync_copy(buf1, acc_sp.at[idx_c.at[j0 + 1]], add=True)

            @pl.when(j0 + 3 < SUP)
            def _():
                pltpu.async_copy(y_hbm.at[idx_r.at[j0 + 3]], buf1, sem1)

            return 0

        lax.fori_loop(0, SUP // 2, step, 0)
        return 0

    lax.fori_loop(0, NCHUNK // SUP, sup, 0)
    plsc.subcore_barrier()

    flush_bufs = (buf0, buf1)
    flush_sems = (sem0, sem1)
    for k in range(ROWS_PER_TILE // CHUNK):
        fb, fs = flush_bufs[k % 2], flush_sems[k % 2]
        sl = pl.ds(base + k * CHUNK, CHUNK)
        if k >= 2:
            prev = pl.ds(base + (k - 2) * CHUNK, CHUNK)
            pltpu.make_async_copy(fb, acc_out.at[cid, prev], fs).wait()
        pltpu.sync_copy(acc_sp.at[sl], fb)
        pltpu.async_copy(fb, acc_out.at[cid, sl], fs)
    for k in range(ROWS_PER_TILE // CHUNK - 2, ROWS_PER_TILE // CHUNK):
        fb, fs = flush_bufs[k % 2], flush_sems[k % 2]
        sl = pl.ds(base + k * CHUNK, CHUNK)
        pltpu.make_async_copy(fb, acc_out.at[cid, sl], fs).wait()


_edge_kernel = functools.partial(
    pl.kernel,
    out_type=jax.ShapeDtypeStruct((NC, N_PAD, D), jnp.float32),
    mesh=_MESH,
    scratch_types=[
        pltpu.VMEM((SUP, CHUNK), jnp.int32),
        pltpu.VMEM((SUP, CHUNK), jnp.int32),
        pltpu.VMEM((CHUNK, D), jnp.float32),
        pltpu.VMEM((CHUNK, D), jnp.float32),
        pltpu.VMEM_SHARED((N_PAD, D), jnp.float32),
        pltpu.SemaphoreType.DMA,
        pltpu.SemaphoreType.DMA,
    ],
)(_edge_body)


def _matmul_body(x_ref, w_ref, xt_ref):
    xt_ref[...] = jnp.dot(x_ref[...], w_ref[...],
                          preferred_element_type=jnp.float32)


def _scale_body(xt_ref, deg2_ref, y_ref, dis_ref):
    deg = deg2_ref[0, :] + deg2_ref[1, :]
    dis = jnp.where(deg > 0.0, lax.rsqrt(deg), 0.0)
    dis_ref[...] = dis
    y_ref[0:N, :] = xt_ref[...] * dis[0:N, None]
    y_ref[N:N_PAD, :] = jnp.zeros((N_PAD - N, D), jnp.float32)


def _finalize_body(acc2_ref, dis_ref, b_ref, out_ref):
    acc = acc2_ref[0, 0:N, :] + acc2_ref[1, 0:N, :]
    out_ref[...] = acc * dis_ref[0:N][:, None] + b_ref[...][None, :]


def kernel(x, edge_index, W, b):
    rc4 = jnp.concatenate([edge_index, _PAD_CONST], axis=1
                          ).reshape(2, NW, NCHUNK, CHUNK)

    deg2 = _deg_kernel(rc4)

    xt = pl.pallas_call(
        _matmul_body,
        out_shape=jax.ShapeDtypeStruct((N, D), jnp.float32),
    )(x, W)

    y, dis = pl.pallas_call(
        _scale_body,
        out_shape=(
            jax.ShapeDtypeStruct((N_PAD, D), jnp.float32),
            jax.ShapeDtypeStruct((N_PAD,), jnp.float32),
        ),
    )(xt, deg2)

    acc2 = _edge_kernel(y, rc4)

    out = pl.pallas_call(
        _finalize_body,
        out_shape=jax.ShapeDtypeStruct((N, D), jnp.float32),
    )(acc2, dis, b)
    return out

# --- scband reference (transcript-rebuilt; emitter-appended) ---
"""Pipeline reference for scband-graph-convolution-21569325760885 (READ-ONLY COPY).

The authoritative reference and input builder live on the scoring server;
editing this copy changes nothing except your own understanding.
"""

import jax, jax.numpy as jnp
import numpy as np

N_NODES = 10000
N_EDGES = 320000
D_IN = 128
D_OUT = 128


def setup_inputs(seed: int = 0) -> dict:
    key = jax.random.key(seed)
    k1, k2, k3 = jax.random.split(key, 3)
    x = jax.random.normal(k1, (N_NODES, D_IN), dtype=jnp.float32)
    edge_index = jax.random.randint(k2, (2, N_EDGES), 0, N_NODES, dtype=jnp.int32)
    # xavier_uniform init for weight, zeros for bias
    limit = float(np.sqrt(6.0 / (D_IN + D_OUT)))
    W = jax.random.uniform(k3, (D_IN, D_OUT), minval=-limit, maxval=limit, dtype=jnp.float32)
    b = jnp.zeros((D_OUT,), dtype=jnp.float32)
    return {"x": x, "edge_index": edge_index, "W": W, "b": b}


def reference(x, edge_index, W, b):
    # x_transformed = x @ weight
    x_transformed = jnp.matmul(x, W)
    num_nodes = x.shape[0]
    row = edge_index[0]
    col = edge_index[1]
    # degree via scatter-add of ones onto row indices
    deg = jnp.zeros((num_nodes,), dtype=x.dtype).at[row].add(jnp.ones_like(row, dtype=x.dtype))
    deg_inv_sqrt = jnp.power(deg, -0.5)
    deg_inv_sqrt = jnp.where(jnp.isinf(deg_inv_sqrt), 0.0, deg_inv_sqrt)
    norm = deg_inv_sqrt[row] * deg_inv_sqrt[col]
    # gather source features, scale, scatter-add into dst nodes
    edge_weight = norm[:, None] * x_transformed[row]
    out = jnp.zeros((num_nodes, W.shape[1]), dtype=x.dtype).at[col].add(edge_weight)
    out = out + b
    return out

if __name__ == "__main__":
    import jax
    _d = setup_inputs()
    print(jax.jit(kernel)(*tuple(_d.values())))

</pallas_src>

<mosaic_0001>
#map = affine_map<(d0, d1) -> (0, 0, 0, 0)>
#map1 = affine_map<(d0, d1) -> (0, 0)>
module attributes {stable_mosaic.version = 14 : i64} {
  func.func @_deg_body(%arg0: i32, %arg1: i32, %arg2: memref<2x32x80x128xi32, #tpu.memory_space<hbm>>, %arg3: memref<2x10240xf32, #tpu.memory_space<hbm>>, %arg4: memref<80x128xi32, #tpu.memory_space<vmem>>, %arg5: memref<128xf32, #tpu.memory_space<vmem>>, %arg6: memref<640xf32, #tpu.memory_space<vmem>>, %arg7: memref<10240xf32, #tpu.memory_space<vmem_shared>>, %arg8: memref<!tpu.dma_semaphore, #tpu.memory_space<semaphore_mem>>) attributes {dimension_semantics = [#tpu.dimension_semantics<core_parallel>, #tpu.dimension_semantics<subcore_parallel>], iteration_bounds = array<i64: 2, 16>, scalar_prefetch = 0 : i64, scratch_operands = 5 : i64, tpu.core_type = #tpu.core_type<sc_vector_subcore>, window_params = [{transform_indices = #map}, {transform_indices = #map1}]} {
    %mul3A = arith.constant 16 : i32
    %mul3A_0 = arith.muli %arg0, %mul3A : i32
    %add3A = arith.addi %mul3A_0, %arg1 : i32
    %scan3A = arith.constant 0 : i32
    %scan3A_1 = arith.constant 0 : i32
    %scan3A_2 = arith.constant 40 : i32
    %scan3A_3 = arith.addi %scan3A_1, %scan3A_2 : i32
    %scan3A_4 = arith.constant 1 : i32
    %scan3A_5 = scf.for %scan3A_31 = %scan3A_1 to %scan3A_3 step %scan3A_4 iter_args(%scan3A_32 = %scan3A) -> (i32)  : i32 {
      %broadcast_in_dim3A = arith.constant 0.000000e+00 : f32
      %broadcast_in_dim3A_33 = vector.broadcast %broadcast_in_dim3A : f32 to vector<16xf32>
      %mul3A_34 = arith.constant 16 : i32
      %mul3A_35 = arith.muli %scan3A_31, %mul3A_34 : i32
      %swap3A = arith.index_cast %mul3A_35 : i32 to index
      %swap3A_36 = tpu.vector_load %arg6[%swap3A] {strides = array<i32>} : memref<640xf32, #tpu.memory_space<vmem>>, vector<16xf32>,
      %swap3A_37 = vector.shape_cast %swap3A_36 : vector<16xf32> to vector<16xf32>
      %swap3A_38 = vector.shape_cast %broadcast_in_dim3A_33 : vector<16xf32> to vector<16xf32>
      tpu.vector_store %arg6[%swap3A], %swap3A_38 {strides = array<i32>} : memref<640xf32, #tpu.memory_space<vmem>>, vector<16xf32>,
      %scan3A_39 = arith.constant 0 : i32
      scf.yield %scan3A_39 : i32
    }
    %scan3A_6 = arith.constant 40 : i32
    %scan3A_7 = arith.constant 0 : i32
    %scan3A_8 = arith.constant 0 : i32
    %scan3A_9 = arith.constant 8 : i32
    %scan3A_10 = arith.addi %scan3A_8, %scan3A_9 : i32
    %scan3A_11 = arith.constant 1 : i32
    %scan3A_12 = scf.for %scan3A_31 = %scan3A_8 to %scan3A_10 step %scan3A_11 iter_args(%scan3A_32 = %scan3A_7) -> (i32)  : i32 {
      %broadcast_in_dim3A = arith.constant 1.000000e+00 : f32
      %broadcast_in_dim3A_33 = vector.broadcast %broadcast_in_dim3A : f32 to vector<16xf32>
      %mul3A_34 = arith.constant 16 : i32
      %mul3A_35 = arith.muli %scan3A_31, %mul3A_34 : i32
      %swap3A = arith.index_cast %mul3A_35 : i32 to index
      %swap3A_36 = tpu.vector_load %arg5[%swap3A] {strides = array<i32>} : memref<128xf32, #tpu.memory_space<vmem>>, vector<16xf32>,
      %swap3A_37 = vector.shape_cast %swap3A_36 : vector<16xf32> to vector<16xf32>
      %swap3A_38 = vector.shape_cast %broadcast_in_dim3A_33 : vector<16xf32> to vector<16xf32>
      tpu.vector_store %arg5[%swap3A], %swap3A_38 {strides = array<i32>} : memref<128xf32, #tpu.memory_space<vmem>>, vector<16xf32>,
      %scan3A_39 = arith.constant 0 : i32
      scf.yield %scan3A_39 : i32
    }
    %scan3A_13 = arith.constant 8 : i32
    %mul3A_14 = arith.constant 640 : i32
    %mul3A_15 = arith.muli %arg1, %mul3A_14 : i32
    "tpu.region"() ({
      %run_scoped3A_31 = tpu.sem_alloc : memref<!tpu.dma_semaphore, #tpu.memory_space<semaphore_mem>>
      %dma_start3A = tpu.memref_slice %arg7[%mul3A_15] : memref<10240xf32, #tpu.memory_space<vmem_shared>> -> memref<640xf32, #tpu.memory_space<vmem_shared>>
      %dma_start3A_32 = tpu.memref_slice %arg7[%mul3A_15] : memref<10240xf32, #tpu.memory_space<vmem_shared>> -> memref<640xf32, #tpu.memory_space<vmem_shared>>
      tpu.enqueue_dma source(%arg6 : memref<640xf32, #tpu.memory_space<vmem>>) target(%dma_start3A_32 : memref<640xf32, #tpu.memory_space<vmem_shared>>) target_semaphore(%run_scoped3A_31 : memref<!tpu.dma_semaphore, #tpu.memory_space<semaphore_mem>>)
      %dma_wait3A = tpu.memref_slice %arg7[%mul3A_15] : memref<10240xf32, #tpu.memory_space<vmem_shared>> -> memref<640xf32, #tpu.memory_space<vmem_shared>>
      %dma_wait3A_33 = tpu.memref_slice %arg7[%mul3A_15] : memref<10240xf32, #tpu.memory_space<vmem_shared>> -> memref<640xf32, #tpu.memory_space<vmem_shared>>
      tpu.wait_dma2 semaphore(%run_scoped3A_31 : memref<!tpu.dma_semaphore, #tpu.memory_space<semaphore_mem>>) src(%arg6 : memref<640xf32, #tpu.memory_space<vmem>>) dst(%dma_wait3A_33 : memref<640xf32, #tpu.memory_space<vmem_shared>>)
      tpu.yield
    }) : () -> ()
    %run_scoped3A = arith.constant 0 : i32
    "tpu.region"() ({
      %run_scoped3A_31 = tpu.sem_alloc : memref<!tpu.dma_semaphore, #tpu.memory_space<semaphore_mem>>
      %dma_start3A = arith.constant 0 : i32
      %dma_start3A_32 = arith.constant 0 : i32
      %dma_start3A_33 = tpu.memref_slice %arg2[%run_scoped3A, %add3A, %dma_start3A, %dma_start3A_32] : memref<2x32x80x128xi32, #tpu.memory_space<hbm>> -> memref<1x1x80x128xi32, #tpu.memory_space<hbm>>
      %dma_start3A_34 = tpu.memref_squeeze %dma_start3A_33 : memref<1x1x80x128xi32, #tpu.memory_space<hbm>> -> memref<80x128xi32, #tpu.memory_space<hbm>>
      %dma_start3A_35 = arith.constant 0 : i32
      %dma_start3A_36 = arith.constant 0 : i32
      %dma_start3A_37 = tpu.memref_slice %arg2[%run_scoped3A, %add3A, %dma_start3A_35, %dma_start3A_36] : memref<2x32x80x128xi32, #tpu.memory_space<hbm>> -> memref<1x1x80x128xi32, #tpu.memory_space<hbm>>
      %dma_start3A_38 = tpu.memref_squeeze %dma_start3A_37 : memref<1x1x80x128xi32, #tpu.memory_space<hbm>> -> memref<80x128xi32, #tpu.memory_space<hbm>>
      tpu.enqueue_dma source(%dma_start3A_38 : memref<80x128xi32, #tpu.memory_space<hbm>>) target(%arg4 : memref<80x128xi32, #tpu.memory_space<vmem>>) target_semaphore(%run_scoped3A_31 : memref<!tpu.dma_semaphore, #tpu.memory_space<semaphore_mem>>)
      %dma_wait3A = arith.constant 0 : i32
      %dma_wait3A_39 = arith.constant 0 : i32
      %dma_wait3A_40 = tpu.memref_slice %arg2[%run_scoped3A, %add3A, %dma_wait3A, %dma_wait3A_39] : memref<2x32x80x128xi32, #tpu.memory_space<hbm>> -> memref<1x1x80x128xi32, #tpu.memory_space<hbm>>
      %dma_wait3A_41 = tpu.memref_squeeze %dma_wait3A_40 : memref<1x1x80x128xi32, #tpu.memory_space<hbm>> -> memref<80x128xi32, #tpu.memory_space<hbm>>
      %dma_wait3A_42 = arith.constant 0 : i32
      %dma_wait3A_43 = arith.constant 0 : i32
      %dma_wait3A_44 = tpu.memref_slice %arg2[%run_scoped3A, %add3A, %dma_wait3A_42, %dma_wait3A_43] : memref<2x32x80x128xi32, #tpu.memory_space<hbm>> -> memref<1x1x80x128xi32, #tpu.memory_space<hbm>>
      %dma_wait3A_45 = tpu.memref_squeeze %dma_wait3A_44 : memref<1x1x80x128xi32, #tpu.memory_space<hbm>> -> memref<80x128xi32, #tpu.memory_space<hbm>>
      tpu.wait_dma2 semaphore(%run_scoped3A_31 : memref<!tpu.dma_semaphore, #tpu.memory_space<semaphore_mem>>) src(%dma_wait3A_45 : memref<80x128xi32, #tpu.memory_space<hbm>>) dst(%arg4 : memref<80x128xi32, #tpu.memory_space<vmem>>)
      tpu.yield
    }) : () -> ()
    %barrier3A = arith.constant 0 : index
    tpu.barrier barrier_id(%barrier3A)
    %scan3A_16 = arith.constant 0 : i32
    %scan3A_17 = arith.constant 0 : i32
    %scan3A_18 = arith.constant 80 : i32
    %scan3A_19 = arith.addi %scan3A_17, %scan3A_18 : i32
    %scan3A_20 = arith.constant 1 : i32
    %scan3A_21 = scf.for %scan3A_31 = %scan3A_17 to %scan3A_19 step %scan3A_20 iter_args(%scan3A_32 = %scan3A_16) -> (i32)  : i32 {
      %dma_start3A = arith.constant 0 : i32
      %dma_start3A_33 = tpu.memref_slice %arg4[%scan3A_31, %dma_start3A] : memref<80x128xi32, #tpu.memory_space<vmem>> -> memref<1x128xi32, #tpu.memory_space<vmem>>
      %dma_start3A_34 = tpu.memref_squeeze %dma_start3A_33 : memref<1x128xi32, #tpu.memory_space<vmem>> -> memref<128xi32, #tpu.memory_space<vmem>>
      %dma_start3A_35 = arith.constant 0 : i32
      %dma_start3A_36 = tpu.memref_slice %arg7[%dma_start3A_35] : memref<10240xf32, #tpu.memory_space<vmem_shared>> -> memref<10240xf32, #tpu.memory_space<vmem_shared>>
      tpu.enqueue_indirect_dma source(%arg5 : memref<128xf32, #tpu.memory_space<vmem>>) target(%dma_start3A_36 : memref<10240xf32, #tpu.memory_space<vmem_shared>>) offsets(%dma_start3A_34 : memref<128xi32, #tpu.memory_space<vmem>>) semaphore(%arg8 : memref<!tpu.dma_semaphore, #tpu.memory_space<semaphore_mem>>) {add = true}
      %scan3A_37 = arith.constant 0 : i32
      scf.yield %scan3A_37 : i32
    }
    %scan3A_22 = arith.constant 80 : i32
    %scan3A_23 = arith.constant 0 : i32
    %scan3A_24 = arith.constant 0 : i32
    %scan3A_25 = arith.constant 80 : i32
    %scan3A_26 = arith.addi %scan3A_24, %scan3A_25 : i32
    %scan3A_27 = arith.constant 1 : i32
    %scan3A_28 = scf.for %scan3A_31 = %scan3A_24 to %scan3A_26 step %scan3A_27 iter_args(%scan3A_32 = %scan3A_23) -> (i32)  : i32 {
      %dma_wait3A = arith.constant 0 : i32
      %dma_wait3A_33 = tpu.memref_slice %arg4[%scan3A_31, %dma_wait3A] : memref<80x128xi32, #tpu.memory_space<vmem>> -> memref<1x128xi32, #tpu.memory_space<vmem>>
      %dma_wait3A_34 = tpu.memref_squeeze %dma_wait3A_33 : memref<1x128xi32, #tpu.memory_space<vmem>> -> memref<128xi32, #tpu.memory_space<vmem>>
      %dma_wait3A_35 = arith.constant 0 : i32
      %dma_wait3A_36 = tpu.memref_slice %arg7[%dma_wait3A_35] : memref<10240xf32, #tpu.memory_space<vmem_shared>> -> memref<10240xf32, #tpu.memory_space<vmem_shared>>
      tpu.wait_indirect_dma semaphore(%arg8 : memref<!tpu.dma_semaphore, #tpu.memory_space<semaphore_mem>>) src(%arg5 : memref<128xf32, #tpu.memory_space<vmem>>) dst(%dma_wait3A_36 : memref<10240xf32, #tpu.memory_space<vmem_shared>>)
      %scan3A_37 = arith.constant 0 : i32
      scf.yield %scan3A_37 : i32
    }
    %scan3A_29 = arith.constant 80 : i32
    %barrier3A_30 = arith.constant 0 : index
    tpu.barrier barrier_id(%barrier3A_30)
    "tpu.region"() ({
      %run_scoped3A_31 = tpu.sem_alloc : memref<!tpu.dma_semaphore, #tpu.memory_space<semaphore_mem>>
      %dma_start3A = tpu.memref_slice %arg7[%mul3A_15] : memref<10240xf32, #tpu.memory_space<vmem_shared>> -> memref<640xf32, #tpu.memory_space<vmem_shared>>
      %dma_start3A_32 = tpu.memref_slice %arg7[%mul3A_15] : memref<10240xf32, #tpu.memory_space<vmem_shared>> -> memref<640xf32, #tpu.memory_space<vmem_shared>>
      tpu.enqueue_dma source(%dma_start3A_32 : memref<640xf32, #tpu.memory_space<vmem_shared>>) target(%arg6 : memref<640xf32, #tpu.memory_space<vmem>>) target_semaphore(%run_scoped3A_31 : memref<!tpu.dma_semaphore, #tpu.memory_space<semaphore_mem>>)
      %dma_wait3A = tpu.memref_slice %arg7[%mul3A_15] : memref<10240xf32, #tpu.memory_space<vmem_shared>> -> memref<640xf32, #tpu.memory_space<vmem_shared>>
      %dma_wait3A_33 = tpu.memref_slice %arg7[%mul3A_15] : memref<10240xf32, #tpu.memory_space<vmem_shared>> -> memref<640xf32, #tpu.memory_space<vmem_shared>>
      tpu.wait_dma2 semaphore(%run_scoped3A_31 : memref<!tpu.dma_semaphore, #tpu.memory_space<semaphore_mem>>) src(%dma_wait3A_33 : memref<640xf32, #tpu.memory_space<vmem_shared>>) dst(%arg6 : memref<640xf32, #tpu.memory_space<vmem>>)
      tpu.yield
    }) : () -> ()
    "tpu.region"() ({
      %run_scoped3A_31 = tpu.sem_alloc : memref<!tpu.dma_semaphore, #tpu.memory_space<semaphore_mem>>
      %dma_start3A = tpu.memref_slice %arg3[%arg0, %mul3A_15] : memref<2x10240xf32, #tpu.memory_space<hbm>> -> memref<1x640xf32, #tpu.memory_space<hbm>>
      %dma_start3A_32 = tpu.memref_squeeze %dma_start3A : memref<1x640xf32, #tpu.memory_space<hbm>> -> memref<640xf32, #tpu.memory_space<hbm>>
      %dma_start3A_33 = tpu.memref_slice %arg3[%arg0, %mul3A_15] : memref<2x10240xf32, #tpu.memory_space<hbm>> -> memref<1x640xf32, #tpu.memory_space<hbm>>
      %dma_start3A_34 = tpu.memref_squeeze %dma_start3A_33 : memref<1x640xf32, #tpu.memory_space<hbm>> -> memref<640xf32, #tpu.memory_space<hbm>>
      tpu.enqueue_dma source(%arg6 : memref<640xf32, #tpu.memory_space<vmem>>) target(%dma_start3A_34 : memref<640xf32, #tpu.memory_space<hbm>>) target_semaphore(%run_scoped3A_31 : memref<!tpu.dma_semaphore, #tpu.memory_space<semaphore_mem>>)
      %dma_wait3A = tpu.memref_slice %arg3[%arg0, %mul3A_15] : memref<2x10240xf32, #tpu.memory_space<hbm>> -> memref<1x640xf32, #tpu.memory_space<hbm>>
      %dma_wait3A_35 = tpu.memref_squeeze %dma_wait3A : memref<1x640xf32, #tpu.memory_space<hbm>> -> memref<640xf32, #tpu.memory_space<hbm>>
      %dma_wait3A_36 = tpu.memref_slice %arg3[%arg0, %mul3A_15] : memref<2x10240xf32, #tpu.memory_space<hbm>> -> memref<1x640xf32, #tpu.memory_space<hbm>>
      %dma_wait3A_37 = tpu.memref_squeeze %dma_wait3A_36 : memref<1x640xf32, #tpu.memory_space<hbm>> -> memref<640xf32, #tpu.memory_space<hbm>>
      tpu.wait_dma2 semaphore(%run_scoped3A_31 : memref<!tpu.dma_semaphore, #tpu.memory_space<semaphore_mem>>) src(%arg6 : memref<640xf32, #tpu.memory_space<vmem>>) dst(%dma_wait3A_37 : memref<640xf32, #tpu.memory_space<hbm>>)
      tpu.yield
    }) : () -> ()
    return
  }
}

#map = affine_map<(d0, d1) -> (0, 0)>
#map1 = affine_map<(d0, d1) -> (0, 0, 0, 0)>
#map2 = affine_map<(d0, d1) -> (0, 0, 0)>
module attributes {stable_mosaic.version = 14 : i64} {
  func.func @_edge_body(%arg0: i32, %arg1: i32, %arg2: memref<10240x128xf32, #tpu.memory_space<hbm>>, %arg3: memref<2x32x80x128xi32, #tpu.memory_space<hbm>>, %arg4: memref<2x10240x128xf32, #tpu.memory_space<hbm>>, %arg5: memref<40x128xi32, #tpu.memory_space<vmem>>, %arg6: memref<40x128xi32, #tpu.memory_space<vmem>>, %arg7: memref<128x128xf32, #tpu.memory_space<vmem>>, %arg8: memref<128x128xf32, #tpu.memory_space<vmem>>, %arg9: memref<10240x128xf32, #tpu.memory_space<vmem_shared>>, %arg10: memref<!tpu.dma_semaphore, #tpu.memory_space<semaphore_mem>>, %arg11: memref<!tpu.dma_semaphore, #tpu.memory_space<semaphore_mem>>) attributes {dimension_semantics = [#tpu.dimension_semantics<core_parallel>, #tpu.dimension_semantics<subcore_parallel>], iteration_bounds = array<i64: 2, 16>, scalar_prefetch = 0 : i64, scratch_operands = 7 : i64, tpu.core_type = #tpu.core_type<sc_vector_subcore>, window_params = [{transform_indices = #map}, {transform_indices = #map1}, {transform_indices = #map2}]} {
    %mul3A = arith.constant 16 : i32
    %mul3A_0 = arith.muli %arg0, %mul3A : i32
    %add3A = arith.addi %mul3A_0, %arg1 : i32
    %scan3A = arith.constant 0 : i32
    %scan3A_1 = arith.constant 0 : i32
    %scan3A_2 = arith.constant 1024 : i32
    %scan3A_3 = arith.addi %scan3A_1, %scan3A_2 : i32
    %scan3A_4 = arith.constant 1 : i32
    %scan3A_5 = scf.for %scan3A_105 = %scan3A_1 to %scan3A_3 step %scan3A_4 iter_args(%scan3A_106 = %scan3A) -> (i32)  : i32 {
      %jit3A = arith.constant 8 : i32
      %div3A = arith.divsi %scan3A_105, %jit3A : i32
      %sign3A = arith.constant 0 : i32
      %sign3A_107 = arith.cmpi sgt, %scan3A_105, %sign3A : i32
      %sign3A_108 = arith.extui %sign3A_107 : i1 to i32
      %sign3A_109 = arith.constant 0 : i32
      %sign3A_110 = arith.cmpi slt, %scan3A_105, %sign3A_109 : i32
      %sign3A_111 = arith.extui %sign3A_110 : i1 to i32
      %sign3A_112 = arith.subi %sign3A_108, %sign3A_111 : i32
      %sign3A_113 = arith.constant 0 : i32
      %sign3A_114 = arith.cmpi sgt, %jit3A, %sign3A_113 : i32
      %sign3A_115 = arith.extui %sign3A_114 : i1 to i32
      %sign3A_116 = arith.constant 0 : i32
      %sign3A_117 = arith.cmpi slt, %jit3A, %sign3A_116 : i32
      %sign3A_118 = arith.extui %sign3A_117 : i1 to i32
      %sign3A_119 = arith.subi %sign3A_115, %sign3A_118 : i32
      %ne3A = arith.cmpi ne, %sign3A_112, %sign3A_119 : i32
      %rem3A = arith.remsi %scan3A_105, %jit3A : i32
      %ne3A_120 = arith.constant 0 : i32
      %ne3A_121 = arith.cmpi ne, %rem3A, %ne3A_120 : i32
      %and3A = arith.andi %ne3A, %ne3A_121 : i1
      %sub3A = arith.constant 1 : i32
      %sub3A_122 = arith.subi %div3A, %sub3A : i32
      %select_n3A = arith.select %and3A, %sub3A_122, %div3A : i32
      %jit3A_123 = arith.constant 8 : i32
      %eq3A = arith.constant 0 : i32
      %eq3A_124 = arith.cmpi eq, %jit3A_123, %eq3A : i32
      %jit3A_125 = arith.constant 1 : i32
      %select_n3A_126 = arith.select %eq3A_124, %jit3A_125, %jit3A_123 : i32
      %rem3A_127 = arith.remsi %scan3A_105, %select_n3A_126 : i32
      %ne3A_128 = arith.constant 0 : i32
      %ne3A_129 = arith.cmpi ne, %rem3A_127, %ne3A_128 : i32
      %lt3A = arith.constant 0 : i32
      %lt3A_130 = arith.cmpi slt, %rem3A_127, %lt3A : i32
      %lt3A_131 = arith.constant 0 : i32
      %lt3A_132 = arith.cmpi slt, %select_n3A_126, %lt3A_131 : i32
      %ne3A_133 = arith.xori %lt3A_130, %lt3A_132 : i1
      %and3A_134 = arith.andi %ne3A_133, %ne3A_129 : i1
      %add3A_135 = arith.addi %rem3A_127, %select_n3A_126 : i32
      %select_n3A_136 = arith.select %and3A_134, %add3A_135, %rem3A_127 : i32
      %broadcast_in_dim3A = arith.constant 0.000000e+00 : f32
      %broadcast_in_dim3A_137 = vector.broadcast %broadcast_in_dim3A : f32 to vector<16xf32>
      %mul3A_138 = arith.constant 16 : i32
      %mul3A_139 = arith.muli %select_n3A_136, %mul3A_138 : i32
      %swap3A = arith.index_cast %select_n3A : i32 to index
      %swap3A_140 = arith.index_cast %mul3A_139 : i32 to index
      %swap3A_141 = tpu.vector_load %arg7[%swap3A, %swap3A_140] {strides = array<i32>} : memref<128x128xf32, #tpu.memory_space<vmem>>, vector<1x16xf32>,
      %swap3A_142 = vector.shape_cast %swap3A_141 : vector<1x16xf32> to vector<16xf32>
      %swap3A_143 = vector.shape_cast %broadcast_in_dim3A_137 : vector<16xf32> to vector<1x16xf32>
      tpu.vector_store %arg7[%swap3A, %swap3A_140], %swap3A_143 {strides = array<i32>} : memref<128x128xf32, #tpu.memory_space<vmem>>, vector<1x16xf32>,
      %scan3A_144 = arith.constant 0 : i32
      scf.yield %scan3A_144 : i32
    }
    %scan3A_6 = arith.constant 1024 : i32
    %mul3A_7 = arith.constant 640 : i32
    %mul3A_8 = arith.muli %arg1, %mul3A_7 : i32
    %add3A_9 = arith.constant 0 : i32
    %add3A_10 = arith.addi %mul3A_8, %add3A_9 : i32
    "tpu.region"() ({
      %run_scoped3A = tpu.sem_alloc : memref<!tpu.dma_semaphore, #tpu.memory_space<semaphore_mem>>
      %dma_start3A_105 = arith.constant 0 : i32
      %dma_start3A_106 = tpu.memref_slice %arg9[%add3A_10, %dma_start3A_105] : memref<10240x128xf32, #tpu.memory_space<vmem_shared>> -> memref<128x128xf32, #tpu.memory_space<vmem_shared>>
      %dma_start3A_107 = arith.constant 0 : i32
      %dma_start3A_108 = tpu.memref_slice %arg9[%add3A_10, %dma_start3A_107] : memref<10240x128xf32, #tpu.memory_space<vmem_shared>> -> memref<128x128xf32, #tpu.memory_space<vmem_shared>>
      tpu.enqueue_dma source(%arg7 : memref<128x128xf32, #tpu.memory_space<vmem>>) target(%dma_start3A_108 : memref<128x128xf32, #tpu.memory_space<vmem_shared>>) target_semaphore(%run_scoped3A : memref<!tpu.dma_semaphore, #tpu.memory_space<semaphore_mem>>)
      %dma_wait3A_109 = arith.constant 0 : i32
      %dma_wait3A_110 = tpu.memref_slice %arg9[%add3A_10, %dma_wait3A_109] : memref<10240x128xf32, #tpu.memory_space<vmem_shared>> -> memref<128x128xf32, #tpu.memory_space<vmem_shared>>
      %dma_wait3A_111 = arith.constant 0 : i32
      %dma_wait3A_112 = tpu.memref_slice %arg9[%add3A_10, %dma_wait3A_111] : memref<10240x128xf32, #tpu.memory_space<vmem_shared>> -> memref<128x128xf32, #tpu.memory_space<vmem_shared>>
      tpu.wait_dma2 semaphore(%run_scoped3A : memref<!tpu.dma_semaphore, #tpu.memory_space<semaphore_mem>>) src(%arg7 : memref<128x128xf32, #tpu.memory_space<vmem>>) dst(%dma_wait3A_112 : memref<128x128xf32, #tpu.memory_space<vmem_shared>>)
      tpu.yield
    }) : () -> ()
    %add3A_11 = arith.constant 128 : i32
    %add3A_12 = arith.addi %mul3A_8, %add3A_11 : i32
    "tpu.region"() ({
      %run_scoped3A = tpu.sem_alloc : memref<!tpu.dma_semaphore, #tpu.memory_space<semaphore_mem>>
      %dma_start3A_105 = arith.constant 0 : i32
      %dma_start3A_106 = tpu.memref_slice %arg9[%add3A_12, %dma_start3A_105] : memref<10240x128xf32, #tpu.memory_space<vmem_shared>> -> memref<128x128xf32, #tpu.memory_space<vmem_shared>>
      %dma_start3A_107 = arith.constant 0 : i32
      %dma_start3A_108 = tpu.memref_slice %arg9[%add3A_12, %dma_start3A_107] : memref<10240x128xf32, #tpu.memory_space<vmem_shared>> -> memref<128x128xf32, #tpu.memory_space<vmem_shared>>
      tpu.enqueue_dma source(%arg7 : memref<128x128xf32, #tpu.memory_space<vmem>>) target(%dma_start3A_108 : memref<128x128xf32, #tpu.memory_space<vmem_shared>>) target_semaphore(%run_scoped3A : memref<!tpu.dma_semaphore, #tpu.memory_space<semaphore_mem>>)
      %dma_wait3A_109 = arith.constant 0 : i32
      %dma_wait3A_110 = tpu.memref_slice %arg9[%add3A_12, %dma_wait3A_109] : memref<10240x128xf32, #tpu.memory_space<vmem_shared>> -> memref<128x128xf32, #tpu.memory_space<vmem_shared>>
      %dma_wait3A_111 = arith.constant 0 : i32
      %dma_wait3A_112 = tpu.memref_slice %arg9[%add3A_12, %dma_wait3A_111] : memref<10240x128xf32, #tpu.memory_space<vmem_shared>> -> memref<128x128xf32, #tpu.memory_space<vmem_shared>>
      tpu.wait_dma2 semaphore(%run_scoped3A : memref<!tpu.dma_semaphore, #tpu.memory_space<semaphore_mem>>) src(%arg7 : memref<128x128xf32, #tpu.memory_space<vmem>>) dst(%dma_wait3A_112 : memref<128x128xf32, #tpu.memory_space<vmem_shared>>)
      tpu.yield
    }) : () -> ()
    %add3A_13 = arith.constant 256 : i32
    %add3A_14 = arith.addi %mul3A_8, %add3A_13 : i32
    "tpu.region"() ({
      %run_scoped3A = tpu.sem_alloc : memref<!tpu.dma_semaphore, #tpu.memory_space<semaphore_mem>>
      %dma_start3A_105 = arith.constant 0 : i32
      %dma_start3A_106 = tpu.memref_slice %arg9[%add3A_14, %dma_start3A_105] : memref<10240x128xf32, #tpu.memory_space<vmem_shared>> -> memref<128x128xf32, #tpu.memory_space<vmem_shared>>
      %dma_start3A_107 = arith.constant 0 : i32
      %dma_start3A_108 = tpu.memref_slice %arg9[%add3A_14, %dma_start3A_107] : memref<10240x128xf32, #tpu.memory_space<vmem_shared>> -> memref<128x128xf32, #tpu.memory_space<vmem_shared>>
      tpu.enqueue_dma source(%arg7 : memref<128x128xf32, #tpu.memory_space<vmem>>) target(%dma_start3A_108 : memref<128x128xf32, #tpu.memory_space<vmem_shared>>) target_semaphore(%run_scoped3A : memref<!tpu.dma_semaphore, #tpu.memory_space<semaphore_mem>>)
      %dma_wait3A_109 = arith.constant 0 : i32
      %dma_wait3A_110 = tpu.memref_slice %arg9[%add3A_14, %dma_wait3A_109] : memref<10240x128xf32, #tpu.memory_space<vmem_shared>> -> memref<128x128xf32, #tpu.memory_space<vmem_shared>>
      %dma_wait3A_111 = arith.constant 0 : i32
      %dma_wait3A_112 = tpu.memref_slice %arg9[%add3A_14, %dma_wait3A_111] : memref<10240x128xf32, #tpu.memory_space<vmem_shared>> -> memref<128x128xf32, #tpu.memory_space<vmem_shared>>
      tpu.wait_dma2 semaphore(%run_scoped3A : memref<!tpu.dma_semaphore, #tpu.memory_space<semaphore_mem>>) src(%arg7 : memref<128x128xf32, #tpu.memory_space<vmem>>) dst(%dma_wait3A_112 : memref<128x128xf32, #tpu.memory_space<vmem_shared>>)
      tpu.yield
    }) : () -> ()
    %add3A_15 = arith.constant 384 : i32
    %add3A_16 = arith.addi %mul3A_8, %add3A_15 : i32
    "tpu.region"() ({
      %run_scoped3A = tpu.sem_alloc : memref<!tpu.dma_semaphore, #tpu.memory_space<semaphore_mem>>
      %dma_start3A_105 = arith.constant 0 : i32
      %dma_start3A_106 = tpu.memref_slice %arg9[%add3A_16, %dma_start3A_105] : memref<10240x128xf32, #tpu.memory_space<vmem_shared>> -> memref<128x128xf32, #tpu.memory_space<vmem_shared>>
      %dma_start3A_107 = arith.constant 0 : i32
      %dma_start3A_108 = tpu.memref_slice %arg9[%add3A_16, %dma_start3A_107] : memref<10240x128xf32, #tpu.memory_space<vmem_shared>> -> memref<128x128xf32, #tpu.memory_space<vmem_shared>>
      tpu.enqueue_dma source(%arg7 : memref<128x128xf32, #tpu.memory_space<vmem>>) target(%dma_start3A_108 : memref<128x128xf32, #tpu.memory_space<vmem_shared>>) target_semaphore(%run_scoped3A : memref<!tpu.dma_semaphore, #tpu.memory_space<semaphore_mem>>)
      %dma_wait3A_109 = arith.constant 0 : i32
      %dma_wait3A_110 = tpu.memref_slice %arg9[%add3A_16, %dma_wait3A_109] : memref<10240x128xf32, #tpu.memory_space<vmem_shared>> -> memref<128x128xf32, #tpu.memory_space<vmem_shared>>
      %dma_wait3A_111 = arith.constant 0 : i32
      %dma_wait3A_112 = tpu.memref_slice %arg9[%add3A_16, %dma_wait3A_111] : memref<10240x128xf32, #tpu.memory_space<vmem_shared>> -> memref<128x128xf32, #tpu.memory_space<vmem_shared>>
      tpu.wait_dma2 semaphore(%run_scoped3A : memref<!tpu.dma_semaphore, #tpu.memory_space<semaphore_mem>>) src(%arg7 : memref<128x128xf32, #tpu.memory_space<vmem>>) dst(%dma_wait3A_112 : memref<128x128xf32, #tpu.memory_space<vmem_shared>>)
      tpu.yield
    }) : () -> ()
    %add3A_17 = arith.constant 512 : i32
    %add3A_18 = arith.addi %mul3A_8, %add3A_17 : i32
    "tpu.region"() ({
      %run_scoped3A = tpu.sem_alloc : memref<!tpu.dma_semaphore, #tpu.memory_space<semaphore_mem>>
      %dma_start3A_105 = arith.constant 0 : i32
      %dma_start3A_106 = tpu.memref_slice %arg9[%add3A_18, %dma_start3A_105] : memref<10240x128xf32, #tpu.memory_space<vmem_shared>> -> memref<128x128xf32, #tpu.memory_space<vmem_shared>>
      %dma_start3A_107 = arith.constant 0 : i32
      %dma_start3A_108 = tpu.memref_slice %arg9[%add3A_18, %dma_start3A_107] : memref<10240x128xf32, #tpu.memory_space<vmem_shared>> -> memref<128x128xf32, #tpu.memory_space<vmem_shared>>
      tpu.enqueue_dma source(%arg7 : memref<128x128xf32, #tpu.memory_space<vmem>>) target(%dma_start3A_108 : memref<128x128xf32, #tpu.memory_space<vmem_shared>>) target_semaphore(%run_scoped3A : memref<!tpu.dma_semaphore, #tpu.memory_space<semaphore_mem>>)
      %dma_wait3A_109 = arith.constant 0 : i32
      %dma_wait3A_110 = tpu.memref_slice %arg9[%add3A_18, %dma_wait3A_109] : memref<10240x128xf32, #tpu.memory_space<vmem_shared>> -> memref<128x128xf32, #tpu.memory_space<vmem_shared>>
      %dma_wait3A_111 = arith.constant 0 : i32
      %dma_wait3A_112 = tpu.memref_slice %arg9[%add3A_18, %dma_wait3A_111] : memref<10240x128xf32, #tpu.memory_space<vmem_shared>> -> memref<128x128xf32, #tpu.memory_space<vmem_shared>>
      tpu.wait_dma2 semaphore(%run_scoped3A : memref<!tpu.dma_semaphore, #tpu.memory_space<semaphore_mem>>) src(%arg7 : memref<128x128xf32, #tpu.memory_space<vmem>>) dst(%dma_wait3A_112 : memref<128x128xf32, #tpu.memory_space<vmem_shared>>)
      tpu.yield
    }) : () -> ()
    %barrier3A = arith.constant 0 : index
    tpu.barrier barrier_id(%barrier3A)
    %scan3A_19 = arith.constant 0 : i32
    %scan3A_20 = arith.constant 0 : i32
    %scan3A_21 = arith.constant 2 : i32
    %scan3A_22 = arith.addi %scan3A_20, %scan3A_21 : i32
    %scan3A_23 = arith.constant 1 : i32
    %scan3A_24 = scf.for %scan3A_105 = %scan3A_20 to %scan3A_22 step %scan3A_23 iter_args(%scan3A_106 = %scan3A_19) -> (i32)  : i32 {
      %mul3A_107 = arith.constant 40 : i32
      %mul3A_108 = arith.muli %scan3A_105, %mul3A_107 : i32
      %run_scoped3A = arith.constant 0 : i32
      "tpu.region"() ({
        %run_scoped3A_134 = tpu.sem_alloc : memref<!tpu.dma_semaphore, #tpu.memory_space<semaphore_mem>>
        %dma_start3A_135 = arith.constant 0 : i32
        %dma_start3A_136 = tpu.memref_slice %arg3[%run_scoped3A, %add3A, %mul3A_108, %dma_start3A_135] : memref<2x32x80x128xi32, #tpu.memory_space<hbm>> -> memref<1x1x40x128xi32, #tpu.memory_space<hbm>>
        %dma_start3A_137 = tpu.memref_squeeze %dma_start3A_136 : memref<1x1x40x128xi32, #tpu.memory_space<hbm>> -> memref<40x128xi32, #tpu.memory_space<hbm>>
        %dma_start3A_138 = arith.constant 0 : i32
        %dma_start3A_139 = tpu.memref_slice %arg3[%run_scoped3A, %add3A, %mul3A_108, %dma_start3A_138] : memref<2x32x80x128xi32, #tpu.memory_space<hbm>> -> memref<1x1x40x128xi32, #tpu.memory_space<hbm>>
        %dma_start3A_140 = tpu.memref_squeeze %dma_start3A_139 : memref<1x1x40x128xi32, #tpu.memory_space<hbm>> -> memref<40x128xi32, #tpu.memory_space<hbm>>
        tpu.enqueue_dma source(%dma_start3A_140 : memref<40x128xi32, #tpu.memory_space<hbm>>) target(%arg5 : memref<40x128xi32, #tpu.memory_space<vmem>>) target_semaphore(%run_scoped3A_134 : memref<!tpu.dma_semaphore, #tpu.memory_space<semaphore_mem>>)
        %dma_wait3A_141 = arith.constant 0 : i32
        %dma_wait3A_142 = tpu.memref_slice %arg3[%run_scoped3A, %add3A, %mul3A_108, %dma_wait3A_141] : memref<2x32x80x128xi32, #tpu.memory_space<hbm>> -> memref<1x1x40x128xi32, #tpu.memory_space<hbm>>
        %dma_wait3A_143 = tpu.memref_squeeze %dma_wait3A_142 : memref<1x1x40x128xi32, #tpu.memory_space<hbm>> -> memref<40x128xi32, #tpu.memory_space<hbm>>
        %dma_wait3A_144 = arith.constant 0 : i32
        %dma_wait3A_145 = tpu.memref_slice %arg3[%run_scoped3A, %add3A, %mul3A_108, %dma_wait3A_144] : memref<2x32x80x128xi32, #tpu.memory_space<hbm>> -> memref<1x1x40x128xi32, #tpu.memory_space<hbm>>
        %dma_wait3A_146 = tpu.memref_squeeze %dma_wait3A_145 : memref<1x1x40x128xi32, #tpu.memory_space<hbm>> -> memref<40x128xi32, #tpu.memory_space<hbm>>
        tpu.wait_dma2 semaphore(%run_scoped3A_134 : memref<!tpu.dma_semaphore, #tpu.memory_space<semaphore_mem>>) src(%dma_wait3A_146 : memref<40x128xi32, #tpu.memory_space<hbm>>) dst(%arg5 : memref<40x128xi32, #tpu.memory_space<vmem>>)
        tpu.yield
      }) : () -> ()
      %mul3A_109 = arith.constant 40 : i32
      %mul3A_110 = arith.muli %scan3A_105, %mul3A_109 : i32
      %run_scoped3A_111 = arith.constant 1 : i32
      "tpu.region"() ({
        %run_scoped3A_134 = tpu.sem_alloc : memref<!tpu.dma_semaphore, #tpu.memory_space<semaphore_mem>>
        %dma_start3A_135 = arith.constant 0 : i32
        %dma_start3A_136 = tpu.memref_slice %arg3[%run_scoped3A_111, %add3A, %mul3A_110, %dma_start3A_135] : memref<2x32x80x128xi32, #tpu.memory_space<hbm>> -> memref<1x1x40x128xi32, #tpu.memory_space<hbm>>
        %dma_start3A_137 = tpu.memref_squeeze %dma_start3A_136 : memref<1x1x40x128xi32, #tpu.memory_space<hbm>> -> memref<40x128xi32, #tpu.memory_space<hbm>>
        %dma_start3A_138 = arith.constant 0 : i32
        %dma_start3A_139 = tpu.memref_slice %arg3[%run_scoped3A_111, %add3A, %mul3A_110, %dma_start3A_138] : memref<2x32x80x128xi32, #tpu.memory_space<hbm>> -> memref<1x1x40x128xi32, #tpu.memory_space<hbm>>
        %dma_start3A_140 = tpu.memref_squeeze %dma_start3A_139 : memref<1x1x40x128xi32, #tpu.memory_space<hbm>> -> memref<40x128xi32, #tpu.memory_space<hbm>>
        tpu.enqueue_dma source(%dma_start3A_140 : memref<40x128xi32, #tpu.memory_space<hbm>>) target(%arg6 : memref<40x128xi32, #tpu.memory_space<vmem>>) target_semaphore(%run_scoped3A_134 : memref<!tpu.dma_semaphore, #tpu.memory_space<semaphore_mem>>)
        %dma_wait3A_141 = arith.constant 0 : i32
        %dma_wait3A_142 = tpu.memref_slice %arg3[%run_scoped3A_111, %add3A, %mul3A_110, %dma_wait3A_141] : memref<2x32x80x128xi32, #tpu.memory_space<hbm>> -> memref<1x1x40x128xi32, #tpu.memory_space<hbm>>
        %dma_wait3A_143 = tpu.memref_squeeze %dma_wait3A_142 : memref<1x1x40x128xi32, #tpu.memory_space<hbm>> -> memref<40x128xi32, #tpu.memory_space<hbm>>
        %dma_wait3A_144 = arith.constant 0 : i32
        %dma_wait3A_145 = tpu.memref_slice %arg3[%run_scoped3A_111, %add3A, %mul3A_110, %dma_wait3A_144] : memref<2x32x80x128xi32, #tpu.memory_space<hbm>> -> memref<1x1x40x128xi32, #tpu.memory_space<hbm>>
        %dma_wait3A_146 = tpu.memref_squeeze %dma_wait3A_145 : memref<1x1x40x128xi32, #tpu.memory_space<hbm>> -> memref<40x128xi32, #tpu.memory_space<hbm>>
        tpu.wait_dma2 semaphore(%run_scoped3A_134 : memref<!tpu.dma_semaphore, #tpu.memory_space<semaphore_mem>>) src(%dma_wait3A_146 : memref<40x128xi32, #tpu.memory_space<hbm>>) dst(%arg6 : memref<40x128xi32, #tpu.memory_space<vmem>>)
        tpu.yield
      }) : () -> ()
      %dma_start3A_112 = arith.constant 0 : i32
      %dma_start3A_113 = arith.constant 0 : i32
      %dma_start3A_114 = tpu.memref_slice %arg5[%dma_start3A_112, %dma_start3A_113] : memref<40x128xi32, #tpu.memory_space<vmem>> -> memref<1x128xi32, #tpu.memory_space<vmem>>
      %dma_start3A_115 = tpu.memref_squeeze %dma_start3A_114 : memref<1x128xi32, #tpu.memory_space<vmem>> -> memref<128xi32, #tpu.memory_space<vmem>>
      %dma_start3A_116 = arith.constant 0 : i32
      %dma_start3A_117 = arith.constant 0 : i32
      %dma_start3A_118 = tpu.memref_slice %arg2[%dma_start3A_116, %dma_start3A_117] : memref<10240x128xf32, #tpu.memory_space<hbm>> -> memref<10240x128xf32, #tpu.memory_space<hbm>>
      tpu.enqueue_indirect_dma source(%dma_start3A_118 : memref<10240x128xf32, #tpu.memory_space<hbm>>) target(%arg7 : memref<128x128xf32, #tpu.memory_space<vmem>>) offsets(%dma_start3A_115 : memref<128xi32, #tpu.memory_space<vmem>>) semaphore(%arg10 : memref<!tpu.dma_semaphore, #tpu.memory_space<semaphore_mem>>)
      %dma_start3A_119 = arith.constant 1 : i32
      %dma_start3A_120 = arith.constant 0 : i32
      %dma_start3A_121 = tpu.memref_slice %arg5[%dma_start3A_119, %dma_start3A_120] : memref<40x128xi32, #tpu.memory_space<vmem>> -> memref<1x128xi32, #tpu.memory_space<vmem>>
      %dma_start3A_122 = tpu.memref_squeeze %dma_start3A_121 : memref<1x128xi32, #tpu.memory_space<vmem>> -> memref<128xi32, #tpu.memory_space<vmem>>
      %dma_start3A_123 = arith.constant 0 : i32
      %dma_start3A_124 = arith.constant 0 : i32
      %dma_start3A_125 = tpu.memref_slice %arg2[%dma_start3A_123, %dma_start3A_124] : memref<10240x128xf32, #tpu.memory_space<hbm>> -> memref<10240x128xf32, #tpu.memory_space<hbm>>
      tpu.enqueue_indirect_dma source(%dma_start3A_125 : memref<10240x128xf32, #tpu.memory_space<hbm>>) target(%arg8 : memref<128x128xf32, #tpu.memory_space<vmem>>) offsets(%dma_start3A_122 : memref<128xi32, #tpu.memory_space<vmem>>) semaphore(%arg11 : memref<!tpu.dma_semaphore, #tpu.memory_space<semaphore_mem>>)
      %scan3A_126 = arith.constant 0 : i32
      %scan3A_127 = arith.constant 0 : i32
      %scan3A_128 = arith.constant 20 : i32
      %scan3A_129 = arith.addi %scan3A_127, %scan3A_128 : i32
      %scan3A_130 = arith.constant 1 : i32
      %scan3A_131 = scf.for %scan3A_134 = %scan3A_127 to %scan3A_129 step %scan3A_130 iter_args(%scan3A_135 = %scan3A_126) -> (i32)  : i32 {
        %mul3A_136 = arith.constant 2 : i32
        %mul3A_137 = arith.muli %mul3A_136, %scan3A_134 : i32
        %dma_wait3A_138 = arith.constant 0 : i32
        %dma_wait3A_139 = tpu.memref_slice %arg5[%mul3A_137, %dma_wait3A_138] : memref<40x128xi32, #tpu.memory_space<vmem>> -> memref<1x128xi32, #tpu.memory_space<vmem>>
        %dma_wait3A_140 = tpu.memref_squeeze %dma_wait3A_139 : memref<1x128xi32, #tpu.memory_space<vmem>> -> memref<128xi32, #tpu.memory_space<vmem>>
        %dma_wait3A_141 = arith.constant 0 : i32
        %dma_wait3A_142 = arith.constant 0 : i32
        %dma_wait3A_143 = tpu.memref_slice %arg2[%dma_wait3A_141, %dma_wait3A_142] : memref<10240x128xf32, #tpu.memory_space<hbm>> -> memref<10240x128xf32, #tpu.memory_space<hbm>>
        tpu.wait_indirect_dma semaphore(%arg10 : memref<!tpu.dma_semaphore, #tpu.memory_space<semaphore_mem>>) src(%dma_wait3A_143 : memref<10240x128xf32, #tpu.memory_space<hbm>>) dst(%arg7 : memref<128x128xf32, #tpu.memory_space<vmem>>)
        "tpu.region"() ({
          %run_scoped3A_166 = tpu.sem_alloc : memref<!tpu.dma_semaphore, #tpu.memory_space<semaphore_mem>>
          %dma_start3A_167 = arith.constant 0 : i32
          %dma_start3A_168 = tpu.memref_slice %arg6[%mul3A_137, %dma_start3A_167] : memref<40x128xi32, #tpu.memory_space<vmem>> -> memref<1x128xi32, #tpu.memory_space<vmem>>
          %dma_start3A_169 = tpu.memref_squeeze %dma_start3A_168 : memref<1x128xi32, #tpu.memory_space<vmem>> -> memref<128xi32, #tpu.memory_space<vmem>>
          %dma_start3A_170 = arith.constant 0 : i32
          %dma_start3A_171 = arith.constant 0 : i32
          %dma_start3A_172 = tpu.memref_slice %arg9[%dma_start3A_170, %dma_start3A_171] : memref<10240x128xf32, #tpu.memory_space<vmem_shared>> -> memref<10240x128xf32, #tpu.memory_space<vmem_shared>>
          tpu.enqueue_indirect_dma source(%arg7 : memref<128x128xf32, #tpu.memory_space<vmem>>) target(%dma_start3A_172 : memref<10240x128xf32, #tpu.memory_space<vmem_shared>>) offsets(%dma_start3A_169 : memref<128xi32, #tpu.memory_space<vmem>>) semaphore(%run_scoped3A_166 : memref<!tpu.dma_semaphore, #tpu.memory_space<semaphore_mem>>) {add = true}
          %dma_wait3A_173 = arith.constant 0 : i32
          %dma_wait3A_174 = tpu.memref_slice %arg6[%mul3A_137, %dma_wait3A_173] : memref<40x128xi32, #tpu.memory_space<vmem>> -> memref<1x128xi32, #tpu.memory_space<vmem>>
          %dma_wait3A_175 = tpu.memref_squeeze %dma_wait3A_174 : memref<1x128xi32, #tpu.memory_space<vmem>> -> memref<128xi32, #tpu.memory_space<vmem>>
          %dma_wait3A_176 = arith.constant 0 : i32
          %dma_wait3A_177 = arith.constant 0 : i32
          %dma_wait3A_178 = tpu.memref_slice %arg9[%dma_wait3A_176, %dma_wait3A_177] : memref<10240x128xf32, #tpu.memory_space<vmem_shared>> -> memref<10240x128xf32, #tpu.memory_space<vmem_shared>>
          tpu.wait_indirect_dma semaphore(%run_scoped3A_166 : memref<!tpu.dma_semaphore, #tpu.memory_space<semaphore_mem>>) src(%arg7 : memref<128x128xf32, #tpu.memory_space<vmem>>) dst(%dma_wait3A_178 : memref<10240x128xf32, #tpu.memory_space<vmem_shared>>)
          tpu.yield
        }) : () -> ()
        %add3A_144 = arith.constant 2 : i32
        %add3A_145 = arith.addi %mul3A_137, %add3A_144 : i32
        %lt3A = arith.constant 40 : i32
        %lt3A_146 = arith.cmpi slt, %add3A_145, %lt3A : i32
        %convert_element_type3A = arith.extui %lt3A_146 : i1 to i32
        %cond3A = arith.constant 0 : i32
        %cond3A_147 = arith.cmpi ne, %convert_element_type3A, %cond3A : i32
        scf.if %cond3A_147 {
          %add3A_166 = arith.constant 2 : i32
          %add3A_167 = arith.addi %mul3A_137, %add3A_166 : i32
          %dma_start3A_168 = arith.constant 0 : i32
          %dma_start3A_169 = tpu.memref_slice %arg5[%add3A_167, %dma_start3A_168] : memref<40x128xi32, #tpu.memory_space<vmem>> -> memref<1x128xi32, #tpu.memory_space<vmem>>
          %dma_start3A_170 = tpu.memref_squeeze %dma_start3A_169 : memref<1x128xi32, #tpu.memory_space<vmem>> -> memref<128xi32, #tpu.memory_space<vmem>>
          %dma_start3A_171 = arith.constant 0 : i32
          %dma_start3A_172 = arith.constant 0 : i32
          %dma_start3A_173 = tpu.memref_slice %arg2[%dma_start3A_171, %dma_start3A_172] : memref<10240x128xf32, #tpu.memory_space<hbm>> -> memref<10240x128xf32, #tpu.memory_space<hbm>>
          tpu.enqueue_indirect_dma source(%dma_start3A_173 : memref<10240x128xf32, #tpu.memory_space<hbm>>) target(%arg7 : memref<128x128xf32, #tpu.memory_space<vmem>>) offsets(%dma_start3A_170 : memref<128xi32, #tpu.memory_space<vmem>>) semaphore(%arg10 : memref<!tpu.dma_semaphore, #tpu.memory_space<semaphore_mem>>)
        } else {
        }
        %add3A_148 = arith.constant 1 : i32
        %add3A_149 = arith.addi %mul3A_137, %add3A_148 : i32
        %dma_wait3A_150 = arith.constant 0 : i32
        %dma_wait3A_151 = tpu.memref_slice %arg5[%add3A_149, %dma_wait3A_150] : memref<40x128xi32, #tpu.memory_space<vmem>> -> memref<1x128xi32, #tpu.memory_space<vmem>>
        %dma_wait3A_152 = tpu.memref_squeeze %dma_wait3A_151 : memref<1x128xi32, #tpu.memory_space<vmem>> -> memref<128xi32, #tpu.memory_space<vmem>>
        %dma_wait3A_153 = arith.constant 0 : i32
        %dma_wait3A_154 = arith.constant 0 : i32
        %dma_wait3A_155 = tpu.memref_slice %arg2[%dma_wait3A_153, %dma_wait3A_154] : memref<10240x128xf32, #tpu.memory_space<hbm>> -> memref<10240x128xf32, #tpu.memory_space<hbm>>
        tpu.wait_indirect_dma semaphore(%arg11 : memref<!tpu.dma_semaphore, #tpu.memory_space<semaphore_mem>>) src(%dma_wait3A_155 : memref<10240x128xf32, #tpu.memory_space<hbm>>) dst(%arg8 : memref<128x128xf32, #tpu.memory_space<vmem>>)
        %add3A_156 = arith.constant 1 : i32
        %add3A_157 = arith.addi %mul3A_137, %add3A_156 : i32
        "tpu.region"() ({
          %run_scoped3A_166 = tpu.sem_alloc : memref<!tpu.dma_semaphore, #tpu.memory_space<semaphore_mem>>
          %dma_start3A_167 = arith.constant 0 : i32
          %dma_start3A_168 = tpu.memref_slice %arg6[%add3A_157, %dma_start3A_167] : memref<40x128xi32, #tpu.memory_space<vmem>> -> memref<1x128xi32, #tpu.memory_space<vmem>>
          %dma_start3A_169 = tpu.memref_squeeze %dma_start3A_168 : memref<1x128xi32, #tpu.memory_space<vmem>> -> memref<128xi32, #tpu.memory_space<vmem>>
          %dma_start3A_170 = arith.constant 0 : i32
          %dma_start3A_171 = arith.constant 0 : i32
          %dma_start3A_172 = tpu.memref_slice %arg9[%dma_start3A_170, %dma_start3A_171] : memref<10240x128xf32, #tpu.memory_space<vmem_shared>> -> memref<10240x128xf32, #tpu.memory_space<vmem_shared>>
          tpu.enqueue_indirect_dma source(%arg8 : memref<128x128xf32, #tpu.memory_space<vmem>>) target(%dma_start3A_172 : memref<10240x128xf32, #tpu.memory_space<vmem_shared>>) offsets(%dma_start3A_169 : memref<128xi32, #tpu.memory_space<vmem>>) semaphore(%run_scoped3A_166 : memref<!tpu.dma_semaphore, #tpu.memory_space<semaphore_mem>>) {add = true}
          %dma_wait3A_173 = arith.constant 0 : i32
          %dma_wait3A_174 = tpu.memref_slice %arg6[%add3A_157, %dma_wait3A_173] : memref<40x128xi32, #tpu.memory_space<vmem>> -> memref<1x128xi32, #tpu.memory_space<vmem>>
          %dma_wait3A_175 = tpu.memref_squeeze %dma_wait3A_174 : memref<1x128xi32, #tpu.memory_space<vmem>> -> memref<128xi32, #tpu.memory_space<vmem>>
          %dma_wait3A_176 = arith.constant 0 : i32
          %dma_wait3A_177 = arith.constant 0 : i32
          %dma_wait3A_178 = tpu.memref_slice %arg9[%dma_wait3A_176, %dma_wait3A_177] : memref<10240x128xf32, #tpu.memory_space<vmem_shared>> -> memref<10240x128xf32, #tpu.memory_space<vmem_shared>>
          tpu.wait_indirect_dma semaphore(%run_scoped3A_166 : memref<!tpu.dma_semaphore, #tpu.memory_space<semaphore_mem>>) src(%arg8 : memref<128x128xf32, #tpu.memory_space<vmem>>) dst(%dma_wait3A_178 : memref<10240x128xf32, #tpu.memory_space<vmem_shared>>)
          tpu.yield
        }) : () -> ()
        %add3A_158 = arith.constant 3 : i32
        %add3A_159 = arith.addi %mul3A_137, %add3A_158 : i32
        %lt3A_160 = arith.constant 40 : i32
        %lt3A_161 = arith.cmpi slt, %add3A_159, %lt3A_160 : i32
        %convert_element_type3A_162 = arith.extui %lt3A_161 : i1 to i32
        %cond3A_163 = arith.constant 0 : i32
        %cond3A_164 = arith.cmpi ne, %convert_element_type3A_162, %cond3A_163 : i32
        scf.if %cond3A_164 {
          %add3A_166 = arith.constant 3 : i32
          %add3A_167 = arith.addi %mul3A_137, %add3A_166 : i32
          %dma_start3A_168 = arith.constant 0 : i32
          %dma_start3A_169 = tpu.memref_slice %arg5[%add3A_167, %dma_start3A_168] : memref<40x128xi32, #tpu.memory_space<vmem>> -> memref<1x128xi32, #tpu.memory_space<vmem>>
          %dma_start3A_170 = tpu.memref_squeeze %dma_start3A_169 : memref<1x128xi32, #tpu.memory_space<vmem>> -> memref<128xi32, #tpu.memory_space<vmem>>
          %dma_start3A_171 = arith.constant 0 : i32
          %dma_start3A_172 = arith.constant 0 : i32
          %dma_start3A_173 = tpu.memref_slice %arg2[%dma_start3A_171, %dma_start3A_172] : memref<10240x128xf32, #tpu.memory_space<hbm>> -> memref<10240x128xf32, #tpu.memory_space<hbm>>
          tpu.enqueue_indirect_dma source(%dma_start3A_173 : memref<10240x128xf32, #tpu.memory_space<hbm>>) target(%arg8 : memref<128x128xf32, #tpu.memory_space<vmem>>) offsets(%dma_start3A_170 : memref<128xi32, #tpu.memory_space<vmem>>) semaphore(%arg11 : memref<!tpu.dma_semaphore, #tpu.memory_space<semaphore_mem>>)
        } else {
        }
        %scan3A_165 = arith.constant 0 : i32
        scf.yield %scan3A_165 : i32
      }
      %scan3A_132 = arith.constant 20 : i32
      %scan3A_133 = arith.constant 0 : i32
      scf.yield %scan3A_133 : i32
    }
    %scan3A_25 = arith.constant 2 : i32
    %barrier3A_26 = arith.constant 0 : index
    tpu.barrier barrier_id(%barrier3A_26)
    %add3A_27 = arith.constant 0 : i32
    %add3A_28 = arith.addi %mul3A_8, %add3A_27 : i32
    "tpu.region"() ({
      %run_scoped3A = tpu.sem_alloc : memref<!tpu.dma_semaphore, #tpu.memory_space<semaphore_mem>>
      %dma_start3A_105 = arith.constant 0 : i32
      %dma_start3A_106 = tpu.memref_slice %arg9[%add3A_28, %dma_start3A_105] : memref<10240x128xf32, #tpu.memory_space<vmem_shared>> -> memref<128x128xf32, #tpu.memory_space<vmem_shared>>
      %dma_start3A_107 = arith.constant 0 : i32
      %dma_start3A_108 = tpu.memref_slice %arg9[%add3A_28, %dma_start3A_107] : memref<10240x128xf32, #tpu.memory_space<vmem_shared>> -> memref<128x128xf32, #tpu.memory_space<vmem_shared>>
      tpu.enqueue_dma source(%dma_start3A_108 : memref<128x128xf32, #tpu.memory_space<vmem_shared>>) target(%arg7 : memref<128x128xf32, #tpu.memory_space<vmem>>) target_semaphore(%run_scoped3A : memref<!tpu.dma_semaphore, #tpu.memory_space<semaphore_mem>>)
      %dma_wait3A_109 = arith.constant 0 : i32
      %dma_wait3A_110 = tpu.memref_slice %arg9[%add3A_28, %dma_wait3A_109] : memref<10240x128xf32, #tpu.memory_space<vmem_shared>> -> memref<128x128xf32, #tpu.memory_space<vmem_shared>>
      %dma_wait3A_111 = arith.constant 0 : i32
      %dma_wait3A_112 = tpu.memref_slice %arg9[%add3A_28, %dma_wait3A_111] : memref<10240x128xf32, #tpu.memory_space<vmem_shared>> -> memref<128x128xf32, #tpu.memory_space<vmem_shared>>
      tpu.wait_dma2 semaphore(%run_scoped3A : memref<!tpu.dma_semaphore, #tpu.memory_space<semaphore_mem>>) src(%dma_wait3A_112 : memref<128x128xf32, #tpu.memory_space<vmem_shared>>) dst(%arg7 : memref<128x128xf32, #tpu.memory_space<vmem>>)
      tpu.yield
    }) : () -> ()
    %dma_start3A = arith.constant 0 : i32
    %dma_start3A_29 = tpu.memref_slice %arg4[%arg0, %add3A_28, %dma_start3A] : memref<2x10240x128xf32, #tpu.memory_space<hbm>> -> memref<1x128x128xf32, #tpu.memory_space<hbm>>
    %dma_start3A_30 = tpu.memref_squeeze %dma_start3A_29 : memref<1x128x128xf32, #tpu.memory_space<hbm>> -> memref<128x128xf32, #tpu.memory_space<hbm>>
    %dma_start3A_31 = arith.constant 0 : i32
    %dma_start3A_32 = tpu.memref_slice %arg4[%arg0, %add3A_28, %dma_start3A_31] : memref<2x10240x128xf32, #tpu.memory_space<hbm>> -> memref<1x128x128xf32, #tpu.memory_space<hbm>>
    %dma_start3A_33 = tpu.memref_squeeze %dma_start3A_32 : memref<1x128x128xf32, #tpu.memory_space<hbm>> -> memref<128x128xf32, #tpu.memory_space<hbm>>
    tpu.enqueue_dma source(%arg7 : memref<128x128xf32, #tpu.memory_space<vmem>>) target(%dma_start3A_33 : memref<128x128xf32, #tpu.memory_space<hbm>>) target_semaphore(%arg10 : memref<!tpu.dma_semaphore, #tpu.memory_space<semaphore_mem>>)
    %add3A_34 = arith.constant 128 : i32
    %add3A_35 = arith.addi %mul3A_8, %add3A_34 : i32
    "tpu.region"() ({
      %run_scoped3A = tpu.sem_alloc : memref<!tpu.dma_semaphore, #tpu.memory_space<semaphore_mem>>
      %dma_start3A_105 = arith.constant 0 : i32
      %dma_start3A_106 = tpu.memref_slice %arg9[%add3A_35, %dma_start3A_105] : memref<10240x128xf32, #tpu.memory_space<vmem_shared>> -> memref<128x128xf32, #tpu.memory_space<vmem_shared>>
      %dma_start3A_107 = arith.constant 0 : i32
      %dma_start3A_108 = tpu.memref_slice %arg9[%add3A_35, %dma_start3A_107] : memref<10240x128xf32, #tpu.memory_space<vmem_shared>> -> memref<128x128xf32, #tpu.memory_space<vmem_shared>>
      tpu.enqueue_dma source(%dma_start3A_108 : memref<128x128xf32, #tpu.memory_space<vmem_shared>>) target(%arg8 : memref<128x128xf32, #tpu.memory_space<vmem>>) target_semaphore(%run_scoped3A : memref<!tpu.dma_semaphore, #tpu.memory_space<semaphore_mem>>)
      %dma_wait3A_109 = arith.constant 0 : i32
      %dma_wait3A_110 = tpu.memref_slice %arg9[%add3A_35, %dma_wait3A_109] : memref<10240x128xf32, #tpu.memory_space<vmem_shared>> -> memref<128x128xf32, #tpu.memory_space<vmem_shared>>
      %dma_wait3A_111 = arith.constant 0 : i32
      %dma_wait3A_112 = tpu.memref_slice %arg9[%add3A_35, %dma_wait3A_111] : memref<10240x128xf32, #tpu.memory_space<vmem_shared>> -> memref<128x128xf32, #tpu.memory_space<vmem_shared>>
      tpu.wait_dma2 semaphore(%run_scoped3A : memref<!tpu.dma_semaphore, #tpu.memory_space<semaphore_mem>>) src(%dma_wait3A_112 : memref<128x128xf32, #tpu.memory_space<vmem_shared>>) dst(%arg8 : memref<128x128xf32, #tpu.memory_space<vmem>>)
      tpu.yield
    }) : () -> ()
    %dma_start3A_36 = arith.constant 0 : i32
    %dma_start3A_37 = tpu.memref_slice %arg4[%arg0, %add3A_35, %dma_start3A_36] : memref<2x10240x128xf32, #tpu.memory_space<hbm>> -> memref<1x128x128xf32, #tpu.memory_space<hbm>>
    %dma_start3A_38 = tpu.memref_squeeze %dma_start3A_37 : memref<1x128x128xf32, #tpu.memory_space<hbm>> -> memref<128x128xf32, #tpu.memory_space<hbm>>
    %dma_start3A_39 = arith.constant 0 : i32
    %dma_start3A_40 = tpu.memref_slice %arg4[%arg0, %add3A_35, %dma_start3A_39] : memref<2x10240x128xf32, #tpu.memory_space<hbm>> -> memref<1x128x128xf32, #tpu.memory_space<hbm>>
    %dma_start3A_41 = tpu.memref_squeeze %dma_start3A_40 : memref<1x128x128xf32, #tpu.memory_space<hbm>> -> memref<128x128xf32, #tpu.memory_space<hbm>>
    tpu.enqueue_dma source(%arg8 : memref<128x128xf32, #tpu.memory_space<vmem>>) target(%dma_start3A_41 : memref<128x128xf32, #tpu.memory_space<hbm>>) target_semaphore(%arg11 : memref<!tpu.dma_semaphore, #tpu.memory_space<semaphore_mem>>)
    %add3A_42 = arith.constant 256 : i32
    %add3A_43 = arith.addi %mul3A_8, %add3A_42 : i32
    %add3A_44 = arith.constant 0 : i32
    %add3A_45 = arith.addi %mul3A_8, %add3A_44 : i32
    %dma_wait3A = arith.constant 0 : i32
    %dma_wait3A_46 = tpu.memref_slice %arg4[%arg0, %add3A_45, %dma_wait3A] : memref<2x10240x128xf32, #tpu.memory_space<hbm>> -> memref<1x128x128xf32, #tpu.memory_space<hbm>>
    %dma_wait3A_47 = tpu.memref_squeeze %dma_wait3A_46 : memref<1x128x128xf32, #tpu.memory_space<hbm>> -> memref<128x128xf32, #tpu.memory_space<hbm>>
    %dma_wait3A_48 = arith.constant 0 : i32
    %dma_wait3A_49 = tpu.memref_slice %arg4[%arg0, %add3A_45, %dma_wait3A_48] : memref<2x10240x128xf32, #tpu.memory_space<hbm>> -> memref<1x128x128xf32, #tpu.memory_space<hbm>>
    %dma_wait3A_50 = tpu.memref_squeeze %dma_wait3A_49 : memref<1x128x128xf32, #tpu.memory_space<hbm>> -> memref<128x128xf32, #tpu.memory_space<hbm>>
    tpu.wait_dma2 semaphore(%arg10 : memref<!tpu.dma_semaphore, #tpu.memory_space<semaphore_mem>>) src(%arg7 : memref<128x128xf32, #tpu.memory_space<vmem>>) dst(%dma_wait3A_50 : memref<128x128xf32, #tpu.memory_space<hbm>>)
    "tpu.region"() ({
      %run_scoped3A = tpu.sem_alloc : memref<!tpu.dma_semaphore, #tpu.memory_space<semaphore_mem>>
      %dma_start3A_105 = arith.constant 0 : i32
      %dma_start3A_106 = tpu.memref_slice %arg9[%add3A_43, %dma_start3A_105] : memref<10240x128xf32, #tpu.memory_space<vmem_shared>> -> memref<128x128xf32, #tpu.memory_space<vmem_shared>>
      %dma_start3A_107 = arith.constant 0 : i32
      %dma_start3A_108 = tpu.memref_slice %arg9[%add3A_43, %dma_start3A_107] : memref<10240x128xf32, #tpu.memory_space<vmem_shared>> -> memref<128x128xf32, #tpu.memory_space<vmem_shared>>
      tpu.enqueue_dma source(%dma_start3A_108 : memref<128x128xf32, #tpu.memory_space<vmem_shared>>) target(%arg7 : memref<128x128xf32, #tpu.memory_space<vmem>>) target_semaphore(%run_scoped3A : memref<!tpu.dma_semaphore, #tpu.memory_space<semaphore_mem>>)
      %dma_wait3A_109 = arith.constant 0 : i32
      %dma_wait3A_110 = tpu.memref_slice %arg9[%add3A_43, %dma_wait3A_109] : memref<10240x128xf32, #tpu.memory_space<vmem_shared>> -> memref<128x128xf32, #tpu.memory_space<vmem_shared>>
      %dma_wait3A_111 = arith.constant 0 : i32
      %dma_wait3A_112 = tpu.memref_slice %arg9[%add3A_43, %dma_wait3A_111] : memref<10240x128xf32, #tpu.memory_space<vmem_shared>> -> memref<128x128xf32, #tpu.memory_space<vmem_shared>>
      tpu.wait_dma2 semaphore(%run_scoped3A : memref<!tpu.dma_semaphore, #tpu.memory_space<semaphore_mem>>) src(%dma_wait3A_112 : memref<128x128xf32, #tpu.memory_space<vmem_shared>>) dst(%arg7 : memref<128x128xf32, #tpu.memory_space<vmem>>)
      tpu.yield
    }) : () -> ()
    %dma_start3A_51 = arith.constant 0 : i32
    %dma_start3A_52 = tpu.memref_slice %arg4[%arg0, %add3A_43, %dma_start3A_51] : memref<2x10240x128xf32, #tpu.memory_space<hbm>> -> memref<1x128x128xf32, #tpu.memory_space<hbm>>
    %dma_start3A_53 = tpu.memref_squeeze %dma_start3A_52 : memref<1x128x128xf32, #tpu.memory_space<hbm>> -> memref<128x128xf32, #tpu.memory_space<hbm>>
    %dma_start3A_54 = arith.constant 0 : i32
    %dma_start3A_55 = tpu.memref_slice %arg4[%arg0, %add3A_43, %dma_start3A_54] : memref<2x10240x128xf32, #tpu.memory_space<hbm>> -> memref<1x128x128xf32, #tpu.memory_space<hbm>>
    %dma_start3A_56 = tpu.memref_squeeze %dma_start3A_55 : memref<1x128x128xf32, #tpu.memory_space<hbm>> -> memref<128x128xf32, #tpu.memory_space<hbm>>
    tpu.enqueue_dma source(%arg7 : memref<128x128xf32, #tpu.memory_space<vmem>>) target(%dma_start3A_56 : memref<128x128xf32, #tpu.memory_space<hbm>>) target_semaphore(%arg10 : memref<!tpu.dma_semaphore, #tpu.memory_space<semaphore_mem>>)
    %add3A_57 = arith.constant 384 : i32
    %add3A_58 = arith.addi %mul3A_8, %add3A_57 : i32
    %add3A_59 = arith.constant 128 : i32
    %add3A_60 = arith.addi %mul3A_8, %add3A_59 : i32
    %dma_wait3A_61 = arith.constant 0 : i32
    %dma_wait3A_62 = tpu.memref_slice %arg4[%arg0, %add3A_60, %dma_wait3A_61] : memref<2x10240x128xf32, #tpu.memory_space<hbm>> -> memref<1x128x128xf32, #tpu.memory_space<hbm>>
    %dma_wait3A_63 = tpu.memref_squeeze %dma_wait3A_62 : memref<1x128x128xf32, #tpu.memory_space<hbm>> -> memref<128x128xf32, #tpu.memory_space<hbm>>
    %dma_wait3A_64 = arith.constant 0 : i32
    %dma_wait3A_65 = tpu.memref_slice %arg4[%arg0, %add3A_60, %dma_wait3A_64] : memref<2x10240x128xf32, #tpu.memory_space<hbm>> -> memref<1x128x128xf32, #tpu.memory_space<hbm>>
    %dma_wait3A_66 = tpu.memref_squeeze %dma_wait3A_65 : memref<1x128x128xf32, #tpu.memory_space<hbm>> -> memref<128x128xf32, #tpu.memory_space<hbm>>
    tpu.wait_dma2 semaphore(%arg11 : memref<!tpu.dma_semaphore, #tpu.memory_space<semaphore_mem>>) src(%arg8 : memref<128x128xf32, #tpu.memory_space<vmem>>) dst(%dma_wait3A_66 : memref<128x128xf32, #tpu.memory_space<hbm>>)
    "tpu.region"() ({
      %run_scoped3A = tpu.sem_alloc : memref<!tpu.dma_semaphore, #tpu.memory_space<semaphore_mem>>
      %dma_start3A_105 = arith.constant 0 : i32
      %dma_start3A_106 = tpu.memref_slice %arg9[%add3A_58, %dma_start3A_105] : memref<10240x128xf32, #tpu.memory_space<vmem_shared>> -> memref<128x128xf32, #tpu.memory_space<vmem_shared>>
      %dma_start3A_107 = arith.constant 0 : i32
      %dma_start3A_108 = tpu.memref_slice %arg9[%add3A_58, %dma_start3A_107] : memref<10240x128xf32, #tpu.memory_space<vmem_shared>> -> memref<128x128xf32, #tpu.memory_space<vmem_shared>>
      tpu.enqueue_dma source(%dma_start3A_108 : memref<128x128xf32, #tpu.memory_space<vmem_shared>>) target(%arg8 : memref<128x128xf32, #tpu.memory_space<vmem>>) target_semaphore(%run_scoped3A : memref<!tpu.dma_semaphore, #tpu.memory_space<semaphore_mem>>)
      %dma_wait3A_109 = arith.constant 0 : i32
      %dma_wait3A_110 = tpu.memref_slice %arg9[%add3A_58, %dma_wait3A_109] : memref<10240x128xf32, #tpu.memory_space<vmem_shared>> -> memref<128x128xf32, #tpu.memory_space<vmem_shared>>
      %dma_wait3A_111 = arith.constant 0 : i32
      %dma_wait3A_112 = tpu.memref_slice %arg9[%add3A_58, %dma_wait3A_111] : memref<10240x128xf32, #tpu.memory_space<vmem_shared>> -> memref<128x128xf32, #tpu.memory_space<vmem_shared>>
      tpu.wait_dma2 semaphore(%run_scoped3A : memref<!tpu.dma_semaphore, #tpu.memory_space<semaphore_mem>>) src(%dma_wait3A_112 : memref<128x128xf32, #tpu.memory_space<vmem_shared>>) dst(%arg8 : memref<128x128xf32, #tpu.memory_space<vmem>>)
      tpu.yield
    }) : () -> ()
    %dma_start3A_67 = arith.constant 0 : i32
    %dma_start3A_68 = tpu.memref_slice %arg4[%arg0, %add3A_58, %dma_start3A_67] : memref<2x10240x128xf32, #tpu.memory_space<hbm>> -> memref<1x128x128xf32, #tpu.memory_space<hbm>>
    %dma_start3A_69 = tpu.memref_squeeze %dma_start3A_68 : memref<1x128x128xf32, #tpu.memory_space<hbm>> -> memref<128x128xf32, #tpu.memory_space<hbm>>
    %dma_start3A_70 = arith.constant 0 : i32
    %dma_start3A_71 = tpu.memref_slice %arg4[%arg0, %add3A_58, %dma_start3A_70] : memref<2x10240x128xf32, #tpu.memory_space<hbm>> -> memref<1x128x128xf32, #tpu.memory_space<hbm>>
    %dma_start3A_72 = tpu.memref_squeeze %dma_start3A_71 : memref<1x128x128xf32, #tpu.memory_space<hbm>> -> memref<128x128xf32, #tpu.memory_space<hbm>>
    tpu.enqueue_dma source(%arg8 : memref<128x128xf32, #tpu.memory_space<vmem>>) target(%dma_start3A_72 : memref<128x128xf32, #tpu.memory_space<hbm>>) target_semaphore(%arg11 : memref<!tpu.dma_semaphore, #tpu.memory_space<semaphore_mem>>)
    %add3A_73 = arith.constant 512 : i32
    %add3A_74 = arith.addi %mul3A_8, %add3A_73 : i32
    %add3A_75 = arith.constant 256 : i32
    %add3A_76 = arith.addi %mul3A_8, %add3A_75 : i32
    %dma_wait3A_77 = arith.constant 0 : i32
    %dma_wait3A_78 = tpu.memref_slice %arg4[%arg0, %add3A_76, %dma_wait3A_77] : memref<2x10240x128xf32, #tpu.memory_space<hbm>> -> memref<1x128x128xf32, #tpu.memory_space<hbm>>
    %dma_wait3A_79 = tpu.memref_squeeze %dma_wait3A_78 : memref<1x128x128xf32, #tpu.memory_space<hbm>> -> memref<128x128xf32, #tpu.memory_space<hbm>>
    %dma_wait3A_80 = arith.constant 0 : i32
    %dma_wait3A_81 = tpu.memref_slice %arg4[%arg0, %add3A_76, %dma_wait3A_80] : memref<2x10240x128xf32, #tpu.memory_space<hbm>> -> memref<1x128x128xf32, #tpu.memory_space<hbm>>
    %dma_wait3A_82 = tpu.memref_squeeze %dma_wait3A_81 : memref<1x128x128xf32, #tpu.memory_space<hbm>> -> memref<128x128xf32, #tpu.memory_space<hbm>>
    tpu.wait_dma2 semaphore(%arg10 : memref<!tpu.dma_semaphore, #tpu.memory_space<semaphore_mem>>) src(%arg7 : memref<128x128xf32, #tpu.memory_space<vmem>>) dst(%dma_wait3A_82 : memref<128x128xf32, #tpu.memory_space<hbm>>)
    "tpu.region"() ({
      %run_scoped3A = tpu.sem_alloc : memref<!tpu.dma_semaphore, #tpu.memory_space<semaphore_mem>>
      %dma_start3A_105 = arith.constant 0 : i32
      %dma_start3A_106 = tpu.memref_slice %arg9[%add3A_74, %dma_start3A_105] : memref<10240x128xf32, #tpu.memory_space<vmem_shared>> -> memref<128x128xf32, #tpu.memory_space<vmem_shared>>
      %dma_start3A_107 = arith.constant 0 : i32
      %dma_start3A_108 = tpu.memref_slice %arg9[%add3A_74, %dma_start3A_107] : memref<10240x128xf32, #tpu.memory_space<vmem_shared>> -> memref<128x128xf32, #tpu.memory_space<vmem_shared>>
      tpu.enqueue_dma source(%dma_start3A_108 : memref<128x128xf32, #tpu.memory_space<vmem_shared>>) target(%arg7 : memref<128x128xf32, #tpu.memory_space<vmem>>) target_semaphore(%run_scoped3A : memref<!tpu.dma_semaphore, #tpu.memory_space<semaphore_mem>>)
      %dma_wait3A_109 = arith.constant 0 : i32
      %dma_wait3A_110 = tpu.memref_slice %arg9[%add3A_74, %dma_wait3A_109] : memref<10240x128xf32, #tpu.memory_space<vmem_shared>> -> memref<128x128xf32, #tpu.memory_space<vmem_shared>>
      %dma_wait3A_111 = arith.constant 0 : i32
      %dma_wait3A_112 = tpu.memref_slice %arg9[%add3A_74, %dma_wait3A_111] : memref<10240x128xf32, #tpu.memory_space<vmem_shared>> -> memref<128x128xf32, #tpu.memory_space<vmem_shared>>
      tpu.wait_dma2 semaphore(%run_scoped3A : memref<!tpu.dma_semaphore, #tpu.memory_space<semaphore_mem>>) src(%dma_wait3A_112 : memref<128x128xf32, #tpu.memory_space<vmem_shared>>) dst(%arg7 : memref<128x128xf32, #tpu.memory_space<vmem>>)
      tpu.yield
    }) : () -> ()
    %dma_start3A_83 = arith.constant 0 : i32
    %dma_start3A_84 = tpu.memref_slice %arg4[%arg0, %add3A_74, %dma_start3A_83] : memref<2x10240x128xf32, #tpu.memory_space<hbm>> -> memref<1x128x128xf32, #tpu.memory_space<hbm>>
    %dma_start3A_85 = tpu.memref_squeeze %dma_start3A_84 : memref<1x128x128xf32, #tpu.memory_space<hbm>> -> memref<128x128xf32, #tpu.memory_space<hbm>>
    %dma_start3A_86 = arith.constant 0 : i32
    %dma_start3A_87 = tpu.memref_slice %arg4[%arg0, %add3A_74, %dma_start3A_86] : memref<2x10240x128xf32, #tpu.memory_space<hbm>> -> memref<1x128x128xf32, #tpu.memory_space<hbm>>
    %dma_start3A_88 = tpu.memref_squeeze %dma_start3A_87 : memref<1x128x128xf32, #tpu.memory_space<hbm>> -> memref<128x128xf32, #tpu.memory_space<hbm>>
    tpu.enqueue_dma source(%arg7 : memref<128x128xf32, #tpu.memory_space<vmem>>) target(%dma_start3A_88 : memref<128x128xf32, #tpu.memory_space<hbm>>) target_semaphore(%arg10 : memref<!tpu.dma_semaphore, #tpu.memory_space<semaphore_mem>>)
    %add3A_89 = arith.constant 384 : i32
    %add3A_90 = arith.addi %mul3A_8, %add3A_89 : i32
    %dma_wait3A_91 = arith.constant 0 : i32
    %dma_wait3A_92 = tpu.memref_slice %arg4[%arg0, %add3A_90, %dma_wait3A_91] : memref<2x10240x128xf32, #tpu.memory_space<hbm>> -> memref<1x128x128xf32, #tpu.memory_space<hbm>>
    %dma_wait3A_93 = tpu.memref_squeeze %dma_wait3A_92 : memref<1x128x128xf32, #tpu.memory_space<hbm>> -> memref<128x128xf32, #tpu.memory_space<hbm>>
    %dma_wait3A_94 = arith.constant 0 : i32
    %dma_wait3A_95 = tpu.memref_slice %arg4[%arg0, %add3A_90, %dma_wait3A_94] : memref<2x10240x128xf32, #tpu.memory_space<hbm>> -> memref<1x128x128xf32, #tpu.memory_space<hbm>>
    %dma_wait3A_96 = tpu.memref_squeeze %dma_wait3A_95 : memref<1x128x128xf32, #tpu.memory_space<hbm>> -> memref<128x128xf32, #tpu.memory_space<hbm>>
    tpu.wait_dma2 semaphore(%arg11 : memref<!tpu.dma_semaphore, #tpu.memory_space<semaphore_mem>>) src(%arg8 : memref<128x128xf32, #tpu.memory_space<vmem>>) dst(%dma_wait3A_96 : memref<128x128xf32, #tpu.memory_space<hbm>>)
    %add3A_97 = arith.constant 512 : i32
    %add3A_98 = arith.addi %mul3A_8, %add3A_97 : i32
    %dma_wait3A_99 = arith.constant 0 : i32
    %dma_wait3A_100 = tpu.memref_slice %arg4[%arg0, %add3A_98, %dma_wait3A_99] : memref<2x10240x128xf32, #tpu.memory_space<hbm>> -> memref<1x128x128xf32, #tpu.memory_space<hbm>>
    %dma_wait3A_101 = tpu.memref_squeeze %dma_wait3A_100 : memref<1x128x128xf32, #tpu.memory_space<hbm>> -> memref<128x128xf32, #tpu.memory_space<hbm>>
    %dma_wait3A_102 = arith.constant 0 : i32
    %dma_wait3A_103 = tpu.memref_slice %arg4[%arg0, %add3A_98, %dma_wait3A_102] : memref<2x10240x128xf32, #tpu.memory_space<hbm>> -> memref<1x128x128xf32, #tpu.memory_space<hbm>>
    %dma_wait3A_104 = tpu.memref_squeeze %dma_wait3A_103 : memref<1x128x128xf32, #tpu.memory_space<hbm>> -> memref<128x128xf32, #tpu.memory_space<hbm>>
    tpu.wait_dma2 semaphore(%arg10 : memref<!tpu.dma_semaphore, #tpu.memory_space<semaphore_mem>>) src(%arg7 : memref<128x128xf32, #tpu.memory_space<vmem>>) dst(%dma_wait3A_104 : memref<128x128xf32, #tpu.memory_space<hbm>>)
    return
  }
}

module attributes {stable_mosaic.version = 14 : i64} {
  func.func @_matmul_body(%arg0: memref<10000x128xf32, #tpu.memory_space<vmem>>, %arg1: memref<128x128xf32, #tpu.memory_space<vmem>>, %arg2: memref<10000x128xf32, #tpu.memory_space<vmem>>) attributes {dimension_semantics = [], scalar_prefetch = 0 : i64, scratch_operands = 0 : i64, tpu.core_type = #tpu.core_type<tc>} {
    %get3A = arith.constant 0 : index
    %get3A_0 = arith.constant 0 : index
    %get3A_1 = vector.load %arg0[%get3A, %get3A_0] : memref<10000x128xf32, #tpu.memory_space<vmem>>, vector<10000x128xf32>
    %get3A_2 = arith.constant 0 : index
    %get3A_3 = arith.constant 0 : index
    %get3A_4 = vector.load %arg1[%get3A_2, %get3A_3] : memref<128x128xf32, #tpu.memory_space<vmem>>, vector<128x128xf32>
    %dot_general3A = arith.constant dense<0.000000e+00> : vector<10000x128xf32>
    %dot_general3A_5 = tpu.matmul %get3A_1, %get3A_4, %dot_general3A {dimension_numbers = #tpu.dot_dimension_numbers<[1], [0], [0], [1], [0, 0, 1, 1], [], []>, transpose_lhs_hint = false} : vector<10000x128xf32>, vector<128x128xf32>, vector<10000x128xf32> -> vector<10000x128xf32>
    %swap3A = arith.constant 0 : index
    %swap3A_6 = arith.constant 0 : index
    %swap3A_7 = vector.load %arg2[%swap3A, %swap3A_6] : memref<10000x128xf32, #tpu.memory_space<vmem>>, vector<10000x128xf32>
    tpu.vector_store %arg2[%swap3A, %swap3A_6], %dot_general3A_5 {strides = array<i32>} : memref<10000x128xf32, #tpu.memory_space<vmem>>, vector<10000x128xf32>,
    return
  }
}

module attributes {stable_mosaic.version = 14 : i64} {
  func.func @_scale_body(%arg0: memref<10000x128xf32, #tpu.memory_space<vmem>>, %arg1: memref<2x10240xf32, #tpu.memory_space<vmem>>, %arg2: memref<10240x128xf32, #tpu.memory_space<vmem>>, %arg3: memref<10240xf32, #tpu.memory_space<vmem>>) attributes {dimension_semantics = [], scalar_prefetch = 0 : i64, scratch_operands = 0 : i64, tpu.core_type = #tpu.core_type<tc>} {
    %get3A = arith.constant 0 : index
    %get3A_0 = arith.constant 0 : index
    %get3A_1 = vector.load %arg1[%get3A, %get3A_0] : memref<2x10240xf32, #tpu.memory_space<vmem>>, vector<1x10240xf32>
    %get3A_2 = vector.shape_cast %get3A_1 : vector<1x10240xf32> to vector<10240xf32>
    %get3A_3 = arith.constant 1 : index
    %get3A_4 = arith.constant 0 : index
    %get3A_5 = vector.load %arg1[%get3A_3, %get3A_4] : memref<2x10240xf32, #tpu.memory_space<vmem>>, vector<1x10240xf32>
    %get3A_6 = vector.shape_cast %get3A_5 : vector<1x10240xf32> to vector<10240xf32>
    %add3A = arith.addf %get3A_2, %get3A_6 : vector<10240xf32>
    %gt3A = arith.constant 0.000000e+00 : f32
    %gt3A_7 = vector.broadcast %gt3A : f32 to vector<10240xf32>
    %gt3A_8 = arith.cmpf ogt, %add3A, %gt3A_7 : vector<10240xf32>
    %rsqrt3A = math.rsqrt %add3A : vector<10240xf32>
    %jit3A = arith.constant 0.000000e+00 : f32
    %broadcast_in_dim3A = vector.broadcast %jit3A : f32 to vector<10240xf32>
    %select_n3A = arith.select %gt3A_8, %rsqrt3A, %broadcast_in_dim3A : vector<10240xi1>, vector<10240xf32>
    %swap3A = arith.constant 0 : index
    %swap3A_9 = vector.load %arg3[%swap3A] : memref<10240xf32, #tpu.memory_space<vmem>>, vector<10240xf32>
    tpu.vector_store %arg3[%swap3A], %select_n3A {strides = array<i32>} : memref<10240xf32, #tpu.memory_space<vmem>>, vector<10240xf32>,
    %get3A_10 = arith.constant 0 : index
    %get3A_11 = arith.constant 0 : index
    %get3A_12 = vector.load %arg0[%get3A_10, %get3A_11] : memref<10000x128xf32, #tpu.memory_space<vmem>>, vector<10000x128xf32>
    %slice3A = vector.extract_strided_slice %select_n3A {offsets = [0], sizes = [10000], strides = [1]} : vector<10240xf32> to vector<10000xf32>
    %broadcast_in_dim3A_13 = vector.shape_cast %slice3A : vector<10000xf32> to vector<10000x1xf32>
    %mul3A = vector.broadcast %broadcast_in_dim3A_13 : vector<10000x1xf32> to vector<10000x128xf32>
    %mul3A_14 = arith.mulf %get3A_12, %mul3A : vector<10000x128xf32>
    %swap3A_15 = arith.constant 0 : index
    %swap3A_16 = arith.constant 0 : index
    %swap3A_17 = vector.load %arg2[%swap3A_15, %swap3A_16] : memref<10240x128xf32, #tpu.memory_space<vmem>>, vector<10000x128xf32>
    tpu.vector_store %arg2[%swap3A_15, %swap3A_16], %mul3A_14 {strides = array<i32>} : memref<10240x128xf32, #tpu.memory_space<vmem>>, vector<10000x128xf32>,
    %broadcast_in_dim3A_18 = arith.constant 0.000000e+00 : f32
    %broadcast_in_dim3A_19 = vector.broadcast %broadcast_in_dim3A_18 : f32 to vector<240x128xf32>
    %swap3A_20 = arith.constant 10000 : index
    %swap3A_21 = arith.constant 0 : index
    %swap3A_22 = vector.load %arg2[%swap3A_20, %swap3A_21] : memref<10240x128xf32, #tpu.memory_space<vmem>>, vector<240x128xf32>
    tpu.vector_store %arg2[%swap3A_20, %swap3A_21], %broadcast_in_dim3A_19 {strides = array<i32>} : memref<10240x128xf32, #tpu.memory_space<vmem>>, vector<240x128xf32>,
    return
  }
}

module attributes {stable_mosaic.version = 14 : i64} {
  func.func @_finalize_body(%arg0: memref<2x10240x128xf32, #tpu.memory_space<vmem>>, %arg1: memref<10240xf32, #tpu.memory_space<vmem>>, %arg2: memref<128xf32, #tpu.memory_space<vmem>>, %arg3: memref<10000x128xf32, #tpu.memory_space<vmem>>) attributes {dimension_semantics = [], scalar_prefetch = 0 : i64, scratch_operands = 0 : i64, tpu.core_type = #tpu.core_type<tc>} {
    %get3A = arith.constant 0 : index
    %get3A_0 = arith.constant 0 : index
    %get3A_1 = arith.constant 0 : index
    %get3A_2 = vector.load %arg0[%get3A, %get3A_0, %get3A_1] : memref<2x10240x128xf32, #tpu.memory_space<vmem>>, vector<1x10000x128xf32>
    %get3A_3 = vector.shape_cast %get3A_2 : vector<1x10000x128xf32> to vector<10000x128xf32>
    %get3A_4 = arith.constant 1 : index
    %get3A_5 = arith.constant 0 : index
    %get3A_6 = arith.constant 0 : index
    %get3A_7 = vector.load %arg0[%get3A_4, %get3A_5, %get3A_6] : memref<2x10240x128xf32, #tpu.memory_space<vmem>>, vector<1x10000x128xf32>
    %get3A_8 = vector.shape_cast %get3A_7 : vector<1x10000x128xf32> to vector<10000x128xf32>
    %add3A = arith.addf %get3A_3, %get3A_8 : vector<10000x128xf32>
    %get3A_9 = arith.constant 0 : index
    %get3A_10 = vector.load %arg1[%get3A_9] : memref<10240xf32, #tpu.memory_space<vmem>>, vector<10000xf32>
    %broadcast_in_dim3A = vector.shape_cast %get3A_10 : vector<10000xf32> to vector<10000x1xf32>
    %mul3A = vector.broadcast %broadcast_in_dim3A : vector<10000x1xf32> to vector<10000x128xf32>
    %mul3A_11 = arith.mulf %add3A, %mul3A : vector<10000x128xf32>
    %get3A_12 = arith.constant 0 : index
    %get3A_13 = vector.load %arg2[%get3A_12] : memref<128xf32, #tpu.memory_space<vmem>>, vector<128xf32>
    %broadcast_in_dim3A_14 = vector.shape_cast %get3A_13 : vector<128xf32> to vector<1x128xf32>
    %add3A_15 = vector.broadcast %broadcast_in_dim3A_14 : vector<1x128xf32> to vector<10000x128xf32>
    %add3A_16 = arith.addf %mul3A_11, %add3A_15 : vector<10000x128xf32>
    %swap3A = arith.constant 0 : index
    %swap3A_17 = arith.constant 0 : index
    %swap3A_18 = vector.load %arg3[%swap3A, %swap3A_17] : memref<10000x128xf32, #tpu.memory_space<vmem>>, vector<10000x128xf32>
    tpu.vector_store %arg3[%swap3A, %swap3A_17], %add3A_16 {strides = array<i32>} : memref<10000x128xf32, #tpu.memory_space<vmem>>, vector<10000x128xf32>,
    return
  }
}

</mosaic_0001>

<sc_bundles>
// kernel: kernel.10.cloned.1.call-start
scs
__scs_entry_jumppad:
0x0: {  	(pc) =	sbr.rel $0x88, $3  }
0x1: {  	(tag) =	ssettag $0x0;
	lr =	simm.s32 $0x1  }
0x2: {  	[smem:$0x3F9D] =	sst lr;
	_ =	strace $0xD0000000  }
0x3: {  	_ = 	snop  }
0x4: {  	_ = 	snop  }
0x5: {  	_ = 	snop  }
0x6: {  	_ = 	snop  }
0x7: {  	_ = 	snop  }
__scs_overlays_trampoline_lowered:
0x8: {  	[smem:$0x3FAC] =	sst s0  }
0x9: {  	[smem:$0x3FAD] =	sst s1  }
0xa: {  	[smem:$0x3FAE] =	sst s2  }
0xb: {  	[smem:$0x3FAF] =	sst s3  }
0xc: {  	[smem:$0x3FB0] =	sst s4  }
0xd: {  	[smem:$0x3FB1] =	sst s5  }
0xe: {  	[smem:$0x3FB2] =	sst s6  }
0xf: {  	[smem:$0x3FB3] =	sst s7  }
0x10: {  	[smem:$0x3FB4] =	sst s8  }
0x11: {  	[smem:$0x3FB5] =	sst s9;
	s0 =	simm.s32 @!p0 $0x0  }
0x12: {  	s1 =	sld [smem:$0x3F9B];
	s0 =	simm.s32 @p0 $0x1  }
0x13: {  	[smem:$0x3FB6] =	sst s0;
	s0 =	simm.s32 @!p1 $0x0  }
0x14: {  	s2 =	sld [smem:$0x3F9A];
	s0 =	simm.s32 @p1 $0x1  }
0x15: {  	[smem:$0x3FB7] =	sst s0;
	s0 =	simm.s32 @!p2 $0x0  }
0x16: {  	s3 =	sld [smem:$0x3FDB];
	s0 =	simm.s32 @p2 $0x1  }
0x17: {  	s4 =	simm.s32 $0x1BF5;
	[smem:$0x3FB9] =	sst s0  }
0x18: {  	s0 =	sld [smem:$0x3F9C];
	_ =	swait.ge [sflag:s4], $0x0  }
0x19: {  	s7 =	sld [smem:$0x3F9D]  }
0x1a: {  	s8 =	sadd.s32 $0xFFFFE003, lr  }
0x1b: {  	s9 =	sadd.s32 $0xFFFFFEF7, lr;
	s5 =	simm.s32 $0xFFFFFFFF;
	p2 =	slt.u32 s8, $0xFFFFF086  }
0x1c: {  	p1 =	slt.u32 s9, $0xF7A;
	s5 =	simm.s32 @!p2 $0x0  }
0x1d: {  	s5 =	simm.s32 @p1 $0x1;
	p0 =	seq.s32 s7, s2  }
0x1e: {  	s7 =	smul.u32 @!p0 $0xF7A, s2;
	p2 =	seq.s32 @!p0 s5, $0x0  }
0x1f: {  	s9 =	smul.u32 $0xF7A, s1;
	s8 =	simm.s32 @!p0 $0x1BF5;
	p2 =	por !p2, p0  }
0x20: {  	[sflag:s8] =	ssyncset.s32 @!p0 $0xFFFFF086;
	s6 =	sadd.s32 @!p0 s3, s7;
	s7 =	simm.s32 @!p0 $0x108  }
0x21: {  	s3 =	sadd.s32 s3, s9;
	s6 =	sadd.s32 @!p0 $0x88, s6;
	s7 =	simm.s32 @p2 $0x1082  }
0x22: {  	[simem:s7], [sflag:s8] =	dma.local @!p0 [hbm:s6], $0xF7A  }
0x23: {  	s9 =	sor.u32 $0xD0000000, s2;
	s6 =	simm.s32 $0x108;
	_ =	swait.ge @!p0 [sflag:s8], $0x0  }
0x24: {  	s3 =	sadd.s32 $0x88, s3;
	s6 =	simm.s32 @!p1 $0x1082;
	[sflag:s4] =	ssyncset.s32 $0xFFFFF086  }
0x25: {  	[simem:s6], [sflag:s4] =	dma.local [hbm:s3], $0xF7A  }
0x26: {  	[smem:$0x3F9D] =	sst s1;
	(tag) =	ssettag s2;
	_ =	strace s9  }
0x27: {  	s1 =	sld [smem:$0x3FAD]  }
0x28: {  	s2 =	sld [smem:$0x3FAE]  }
0x29: {  	s4 =	sld [smem:$0x3FB0]  }
0x2a: {  	p0 =	seq.s32 s5, $0x0;
	s5 =	sld [smem:$0x3FB1]  }
0x2b: {  	s6 =	sld [smem:$0x3FB2]  }
0x2c: {  	s7 =	sld [smem:$0x3FB3]  }
0x2d: {  	s3 =	simm.s32 $0x108;
	s8 =	sld [smem:$0x3FB4]  }
0x2e: {  	s3 =	simm.s32 @!p0 $0x1082;
	s9 =	sld [smem:$0x3FB5]  }
0x2f: {  	lr =	sadd.s32 s0, s3;
	s0 =	sld [smem:$0x3FAC]  }
0x30: {  	s3 =	sld [smem:$0x3FAF]  }
0x31: {  	[smem:$0x3FB8] =	sst s10  }
0x32: {  	s10 =	sld [smem:$0x3FB6];
	_ =	sdelay $0x3  }
0x33: {  	p0 =	seq.s32 s10, $0x1;
	s10 =	sld [smem:$0x3FB8];
	_ =	sdelay $0x3  }
0x34: {  	[smem:$0x3FB8] =	sst s10  }
0x35: {  	s10 =	sld [smem:$0x3FB7];
	_ =	sdelay $0x3  }
0x36: {  	p1 =	seq.s32 s10, $0x1;
	s10 =	sld [smem:$0x3FB8];
	_ =	sdelay $0x3  }
0x37: {  	[smem:$0x3FB8] =	sst s10  }
0x38: {  	s10 =	sld [smem:$0x3FB9]  }
0x39: {  	_ = 	snop;
	(pc) =	sbr.ind lr, $3  }
0x3a: {  	_ = 	snop  }
0x3b: {  	_ = 	snop  }
0x3c: {  	p2 =	seq.s32 s10, $0x1;
	s10 =	sld [smem:$0x3FB8]  }
0x3d: {  	_ =	shalt  }
0x3e: {  	_ =	shalt  }
0x3f: {  	_ =	shalt  }
0x40: {  	_ =	shalt  }
0x41: {  	_ =	shalt  }
0x42: {  	_ =	shalt  }
0x43: {  	_ =	shalt  }
0x44: {  	_ =	shalt  }
0x45: {  	_ =	shalt  }
0x46: {  	_ =	shalt  }
0x47: {  	_ =	shalt  }
0x48: {  	_ =	shalt  }
0x49: {  	_ =	shalt  }
0x4a: {  	_ =	shalt  }
0x4b: {  	_ =	shalt  }
0x4c: {  	_ =	shalt  }
0x4d: {  	_ =	shalt  }
0x4e: {  	_ =	shalt  }
0x4f: {  	_ =	shalt  }
0x50: {  	_ =	shalt  }
0x51: {  	_ =	shalt  }
0x52: {  	_ =	shalt  }
0x53: {  	_ =	shalt  }
0x54: {  	_ =	shalt  }
0x55: {  	_ =	shalt  }
0x56: {  	_ =	shalt  }
0x57: {  	_ =	shalt  }
0x58: {  	_ =	shalt  }
0x59: {  	_ =	shalt  }
0x5a: {  	_ =	shalt  }
0x5b: {  	_ =	shalt  }
0x5c: {  	_ =	shalt  }
0x5d: {  	_ =	shalt  }
0x5e: {  	_ =	shalt  }
0x5f: {  	_ =	shalt  }
0x60: {  	_ =	shalt  }
0x61: {  	_ =	shalt  }
0x62: {  	_ =	shalt  }
0x63: {  	_ =	shalt  }
0x64: {  	_ =	shalt  }
0x65: {  	_ =	shalt  }
0x66: {  	_ =	shalt  }
0x67: {  	_ =	shalt  }
0x68: {  	_ =	shalt  }
0x69: {  	_ =	shalt  }
0x6a: {  	_ =	shalt  }
0x6b: {  	_ =	shalt  }
0x6c: {  	_ =	shalt  }
0x6d: {  	_ =	shalt  }
0x6e: {  	_ =	shalt  }
0x6f: {  	_ =	shalt  }
0x70: {  	_ =	shalt  }
0x71: {  	_ =	shalt  }
0x72: {  	_ =	shalt  }
0x73: {  	_ =	shalt  }
0x74: {  	_ =	shalt  }
0x75: {  	_ =	shalt  }
0x76: {  	_ =	shalt  }
0x77: {  	_ =	shalt  }
0x78: {  	_ =	shalt  }
0x79: {  	_ =	shalt  }
0x7a: {  	_ =	shalt  }
0x7b: {  	_ =	shalt  }
0x7c: {  	_ =	shalt  }
0x7d: {  	_ =	shalt  }
0x7e: {  	_ =	shalt  }
0x7f: {  	_ =	shalt  }
0x80: {  	_ =	shalt  }
0x81: {  	_ =	shalt  }
0x82: {  	_ =	shalt  }
0x83: {  	_ =	shalt  }
0x84: {  	_ =	shalt  }
0x85: {  	_ =	shalt  }
0x86: {  	_ =	shalt  }
0x87: {  	_ =	shalt  }
.Lfunc_end0:
.L_simem_size_0:
called_computation.1_lowered:
.L_overlay_start_0:
0x88: {  	s2 =	sld [smem:$0x3FD9]  }
0x89: {  	s3 =	sld [smem:$0x3FFE];
	_ =	sdelay $0x1  }
0x8a: {  	s1 =	srdreg.scid  }
0x8b: {  	s0 =	sand.u32 $0x1, s1  }
0x8c: {  	s17 =	sshll.u32 s0, $0xA;
	s2 =	sadd.s32 s3, s2  }
0x8d: {  	s2 =	sadd.s32 s2, s17  }
0x8e: {  	[smem:$0x3FC4] =	sst s2  }
0x8f: {  	_ = 	snop  }
0x90: {  	s2 =	sld [smem:$0x3FD0];
	(tm) =	ssettm $0x1  }
0x91: {  	s18 =	sld [smem:$0x3FFB];
	_ =	sdelay $0x3  }
0x92: {  	_ =	strace s18  }
0x93: {  	s3 =	sld [smem:$0x3FFC];
	_ =	sdelay $0x3  }
0x94: {  	_ =	strace s3  }
0x95: {  	s3 =	sld [smem:$0x3FFD];
	_ =	sdelay $0x3  }
0x96: {  	_ =	strace s3  }
0x97: {  	_ =	strace $0x8FFFFFFF  }
0x98: {  	s19 =	sld [smem:$0x3FDB];
	_ =	sdelay $0x1  }
0x99: {  	s4 =	simm.s32 $_scs_section_size  }
0x9a: {  	s5 =	simm.s32 $_size__tile_overlayer_lowered;
	s6 =	simm.s32 $_tile_overlayer_lowered  }
0x9b: {  	s22 =	simm.s32 $0x1BFF;
	s21 =	sshll.u32 s6, $0x1;
	s3 =	sadd.s32 s4, s19  }
0x9c: {  	s7 =	simm.s32 $0x0;
	s20 =	sshll.u32 s5, $0x1;
	s5 =	sadd.s32 s21, s3  }
0x9d: {  	[timem:s7], [sflag:s22] =	dma.local [hbm:s5], s20  }
0x9e: {  	_ =	swait.ge [sflag:s22], s20  }
0x9f: {  	s4 =	ssub.s32 $0x0, s20;
	[sflag:s22] =	ssyncset.done $0x0  }
0xa0: {  	[sflag:s22] =	ssyncadd.s32 s4;
	_ =	sdelay $0x1  }
0xa1: {  	s23 =	simm.s32 $0x1B8B  }
0xa2: {  	_ =	swait.ge [sflag:s23], $0x1  }
0xa3: {  	[sflag:s23] =	ssyncset.done $0x0  }
0xa4: {  	s25 =	simm.s32 $0x1B8E;
	s24 =	sld [smem:$0x3FFE];
	[sflag:s23] =	ssyncadd.s32 $0xFFFFFFFF  }
0xa5: {  	s26 =	simm.s32 $execute0_lowered;
	[smem:$0x3FD2] =	sst s25  }
0xa6: {  	s5 =	sshll.u32 s26, $0x1;
	_ =	strace $0x80000049;
	[dreg:$0x1] =	wrdreg $0xFFFFFFFF  }
0xa7: {  	s28 =	simm.s32 $_size_execute0_lowered;
	s3 =	sadd.s32 s3, s5;
	[dreg:$0x0] =	wrdreg $0x0  }
0xa8: {  	s5 =	sshll.u32 s28, $0x1;
	[dreg:$0x2] =	wrdreg s3  }
0xa9: {  	[dreg:$0x3] =	wrdreg s5  }
0xaa: {  	[dreg:$0x4] =	wrdreg $0xC0  }
0xab: {  	_ =	task [dreg:s7], $0x5FFFF  }
0xac: {  	[dreg:$0x1] =	wrdreg $0xFFFFFFFF  }
0xad: {  	[dreg:$0x0] =	wrdreg $0x60  }
0xae: {  	[dreg:$0x2] =	wrdreg s24  }
0xaf: {  	[dreg:$0x3] =	wrdreg s2  }
0xb0: {  	[dreg:$0x4] =	wrdreg $0xA8000  }
0xb1: {  	[dreg:$0x5] =	wrdreg $0x9  }
0xb2: {  	_ =	task.clear_ibuf [dreg:s7], $0x6FFFF;
	_ =	strace $0x90000049  }
0xb3: {  	s29 =	simm.s32 $0x9;
	_ =	strace $0x8000004B  }
0xb4: {  	_ =	swait.ge [sflag:s29], $0x1  }
0xb5: {  	[sflag:s29] =	ssyncadd.s32 $0xFFFFFFFF  }
0xb6: {  	_ =	strace $0x9000004B  }
0xb7: {  	_ =	sfence  }
0xb8: {  	s30 =	sld [smem:$0x0];
	_ =	sdelay $0x2  }
0xb9: {  	s31 =	sshll.u32 s1, $0xD;
	s1 =	sshrl.u32 s1, $0x2  }
0xba: {  	s3 =	sand.u32 $0x4000, s31;
	s1 =	sadd.s32 s1, s30  }
0xbb: {  	s0 =	sor.u32 s3, s0;
	s1 =	sshll.u32 s1, $0x11  }
0xbc: {  	s0 =	sor.u32 s1, s0  }
0xbd: {  	s0 =	sadd.s32 $0x8F2B, s0  }
0xbe: {  	[sflag:s0] =	ssyncadd.remote.s32 $0x1  }
0xbf: {  	_ =	sfence.sel $0xFFFF  }
0xc0: {  	[dreg:$0x0] =	wrdreg $0xFFFFFFFF;
	(pc) =	sbr.abs _section_cstart, $3  }
0xc1: {  	[dreg:$0x1] =	wrdreg $0xFFFFFFFF  }
0xc2: {  	_ =	task.clear_ibuf [dreg:s7], $0x2FFFF;
	_ =	strace $0x9FFFFFFF  }
0xc3: {  	(tm) =	ssettm $0x7FFFFFFF  }
tec
execute0_lowered:
.L_overlay_start_1:
0x0: {  	(tag) =	ssettag $0x1  }
0x1: {  	s0 =	rddreg [dreg:$0x0]  }
0x2: {  	s1 =	rddreg [dreg:$0x1]  }
0x3: {  	s2 =	rddreg [dreg:$0x2];
	s4 =	srdreg.scid;
	s3 =	simm.s32 $0x0  }
0x4: {  	s9 =	stileid.u32;
	s20 =	simm.s32 $0x2800;
	s21 =	simm.s32 $0x3  }
0x5: {  	s22 =	simm.s32 $0x1400;
	s28 =	simm.s32 $0x2700;
	s29 =	simm.s32 $0x2780  }
0x6: {  	s30 =	simm.s32 $0x0;
	s7 =	sand.u32 $0x1, s4;
	s6 =	smul.u32 $0x50000, s9  }
0x7: {  	[smem:$0x7FF] =	sst s3;
	s10 =	smul.u32 $0x14000, s9;
	s4 =	sadd.s32 $0x1C00, s0  }
0x8: {  	s0 =	sadd.s32 $0x29C00, s0;
	s5 =	ssub.s32 $0x2, s7;
	_ =	strace $0x8000004A  }
0x9: {  	s23 =	sshll.u32 s7, $0x4;
	s15 =	smul.u32 $0x140000, s7;
	s8 =	sshrl.u32 s5, $0x1  }
0xa: {  	s6 =	sshrl.u32 s6, $0x2;
	s11 =	sadd.s32 $0x4000, s10;
	s12 =	sor.u32 s9, s23  }
0xb: {  	s13 =	sadd.s32 $0x8000, s10;
	s14 =	sadd.s32 $0xC000, s10;
	s17 =	sadd.s32 $0x10000, s10  }
0xc: {  	s23 =	simm.s32 $0x80;
	s16 =	ssub.s32 s5, s8;
	s5 =	sadd.s32 s6, s2  }
0xd: {  	s6 =	sadd.s32 s11, s2;
	s7 =	sadd.s32 s13, s2;
	s8 =	sadd.s32 s14, s2  }
0xe: {  	s9 =	sadd.s32 s17, s2;
	s18 =	smul.u32 $0x2800, s12;
	s10 =	sadd.s32 s10, s15  }
0xf: {  	s11 =	sadd.s32 s15, s11;
	s24 =	sadd.s32 s15, s13;
	s25 =	sadd.s32 s15, s14  }
0x10: {  	s26 =	sadd.s32 s15, s17;
	s10 =	sshrl.u32 s10, $0x3;
	s11 =	sshrl.u32 s11, $0x3  }
0x11: {  	s12 =	sshrl.u32 s24, $0x3;
	s13 =	sshrl.u32 s25, $0x3;
	s17 =	sshrl.u32 s26, $0x3  }
0x12: {  	s16 =	smax.u32 s16, $0x1;
	s24 =	simm.s32 $0x6800;
	s25 =	simm.s32 $0x1  }
0x13: {  	s26 =	simm.s32 $0x2;
	s10 =	sadd.s32 s0, s10;
	s11 =	sadd.s32 s0, s11  }
0x14: {  	s12 =	sadd.s32 s0, s12;
	s31 =	sshrl.u32 s18, $0x3;
	s13 =	sadd.s32 s0, s13  }
0x15: {  	s15 =	sadd.s32 s0, s17;
	[dreg:$0x4] =	wrdreg s10;
	s14 =	sadd.s32 s1, s31  }
0x16: {  	v0 =	vimm.f32 $0.0e+00;
	s17 =	sadd.s32 $0xA000, s14;
	s18 =	sadd.s32 $0x280, s14;
	s19 =	sadd.s32 $0xA280, s14  }
.LBB2_1:
0x17: {  	s0 =	sand.u32 $0xFE00, s3  }
0x18: {  	s1 =	sand.u32 $0x70, s3;
	s0 =	sshrl.u32 s0, $0x2  }
0x19: {  	s31 =	simm.s32 $0x40;
	s1 =	sor.u32 s1, s0;
	s0 =	simm.s32 $0x0  }
.LBB2_2:
0x1a: {  	p0 =	sne.s32 s31, $0xFFC0  }
0x1b: {  	[tilespmem:s1+$0x2800] =	vst v0;
	s0 =	sadd.s32 $0x10, s0;
	s1 =	smov.u32 s31;
	s31 =	sadd.s32 $0x40, s31  }
.Ltmp0:
0x1c: {  	(pc) =	sbr.rel @p0 .LBB2_2-.Ltmp0, $4  }
0x1d: {  	_ = 	snop  }
0x1e: {  	s1 =	sand.u32 $0xFE00, s1  }
0x1f: {  	s10 =	sand.u32 $0x70, s0;
	s1 =	sshrl.u32 s1, $0x2  }
0x20: {  	s1 =	sor.u32 s10, s1  }
0x21: {  	[tilespmem:s1+$0x2800] =	vst v0  }
0x22: {  	[spmem:s5] =	stream.linear.scatter [tilespmem:s20], [sflag:$0x3], $0x4000, $0x38;
	[tilespmem:$0x1E800] =	vst v63  }
0x23: {  	_ =	swait.ge [sflag:s21], $0x4000  }
0x24: {  	[sflag:s21] =	ssyncset.done $0x0  }
0x25: {  	[sflag:s21] =	ssyncadd.s32 $0xFFFFC000  }
0x26: {  	[spmem:s6] =	stream.linear.scatter [tilespmem:s20], [sflag:$0x3], $0x4000, $0x38;
	[tilespmem:$0x1E800] =	vst v63  }
0x27: {  	_ =	swait.ge [sflag:s21], $0x4000  }
0x28: {  	[sflag:s21] =	ssyncset.done $0x0  }
0x29: {  	[sflag:s21] =	ssyncadd.s32 $0xFFFFC000  }
0x2a: {  	[spmem:s7] =	stream.linear.scatter [tilespmem:s20], [sflag:$0x3], $0x4000, $0x38;
	[tilespmem:$0x1E800] =	vst v63  }
0x2b: {  	_ =	swait.ge [sflag:s21], $0x4000  }
0x2c: {  	[sflag:s21] =	ssyncset.done $0x0  }
0x2d: {  	[sflag:s21] =	ssyncadd.s32 $0xFFFFC000  }
0x2e: {  	[spmem:s8] =	stream.linear.scatter [tilespmem:s20], [sflag:$0x3], $0x4000, $0x38;
	[tilespmem:$0x1E800] =	vst v63  }
0x2f: {  	_ =	swait.ge [sflag:s21], $0x4000  }
0x30: {  	[sflag:s21] =	ssyncset.done $0x0  }
0x31: {  	[sflag:s21] =	ssyncadd.s32 $0xFFFFC000  }
0x32: {  	[spmem:s9] =	stream.linear.scatter [tilespmem:s20], [sflag:$0x3], $0x4000, $0x38;
	[tilespmem:$0x1E800] =	vst v63  }
0x33: {  	_ =	swait.ge [sflag:s21], $0x4000  }
0x34: {  	[sflag:s21] =	ssyncset.done $0x0  }
0x35: {  	[sflag:s21] =	ssyncadd.s32 $0xFFFFC000  }
0x36: {  	s0 =	simm.s32 $0x0;
	[bflag:$0x0] =	sbarrier.arrive $0xFFFF  }
0x37: {  	[tilespmem:s0], [sflag:$0x3] =	stream.linear.gather [hbm4b:s14+s0], $0x1400, $0x38;
	[tilespmem:$0x1E800] =	vst v63  }
0x38: {  	_ =	swait.ge [sflag:s21], $0x1400  }
0x39: {  	[sflag:s21] =	ssyncset.done $0x0  }
0x3a: {  	[sflag:s21] =	ssyncadd.s32 $0xFFFFEC00  }
0x3b: {  	[tilespmem:s22], [sflag:$0x3] =	stream.linear.gather [hbm4b:s17+s0], $0x1400, $0x38;
	[tilespmem:$0x1E800] =	vst v63  }
0x3c: {  	_ =	swait.ge [sflag:s21], $0x1400  }
0x3d: {  	[sflag:s21] =	ssyncset.done $0x0  }
0x3e: {  	[sflag:s21] =	ssyncadd.s32 $0xFFFFEC00  }
0x3f: {  	[tilespmem:s20], [sflag:$0x1] =	stream.indirect.gather [hbm4b:s4+s23], $0x80, s0, s23, $0xb8;
	[tilespmem:$0x1E800] =	vst v63  }
0x40: {  	_ = 	snop  }
0x41: {  	[tilespmem:s24], [sflag:$0x2] =	stream.indirect.gather [hbm4b:s4+s23], $0x80, s23, s23, $0xb8;
	[tilespmem:$0x1E800] =	vst v63  }
0x42: {  	_ =	swait.ge [sflag:s25], $0x4000  }
0x43: {  	[sflag:s25] =	ssyncset.done $0x0  }
0x44: {  	s10 =	simm.s32 $0x1400;
	[sflag:s25] =	ssyncadd.s32 $0xFFFFC000  }
0x45: {  	[spmem:s2] =	stream.indirect.scatter.add.f32 [tilespmem:s20], [sflag:$0x3], $0x80, s10, s23, $0xb8;
	[tilespmem:$0x1E800] =	vst v63  }
0x46: {  	_ =	swait.ge [sflag:s21], $0x4000  }
0x47: {  	[sflag:s21] =	ssyncset.done $0x0  }
0x48: {  	s1 =	simm.s32 $0x100;
	[sflag:s21] =	ssyncadd.s32 $0xFFFFC000  }
0x49: {  	[tilespmem:s20], [sflag:$0x1] =	stream.indirect.gather [hbm4b:s4+s23], $0x80, s1, s23, $0xb8;
	[tilespmem:$0x1E800] =	vst v63  }
0x4a: {  	_ =	swait.ge [sflag:s26], $0x4000  }
0x4b: {  	[sflag:s26] =	ssyncset.done $0x0  }
0x4c: {  	s10 =	simm.s32 $0x1480;
	[sflag:s26] =	ssyncadd.s32 $0xFFFFC000  }
0x4d: {  	[spmem:s2] =	stream.indirect.scatter.add.f32 [tilespmem:s24], [sflag:$0x3], $0x80, s10, s23, $0xb8;
	[tilespmem:$0x1E800] =	vst v63  }
0x4e: {  	_ =	swait.ge [sflag:s21], $0x4000  }
0x4f: {  	[sflag:s21] =	ssyncset.done $0x0  }
0x50: {  	s31 =	simm.s32 $0x400;
	s0 =	simm.s32 $0x180;
	[sflag:s21] =	ssyncadd.s32 $0xFFFFC000  }
.LBB2_4:
0x51: {  	[tilespmem:s24], [sflag:$0x2] =	stream.indirect.gather [hbm4b:s4+s23], $0x80, s0, s23, $0xb8;
	[tilespmem:$0x1E800] =	vst v63  }
0x52: {  	s0 =	smov.u32 s31  }
0x53: {  	p0 =	sne.s32 s31, $0x4800;
	s31 =	sadd.s32 $0x400, s31;
	_ =	swait.ge [sflag:s25], $0x4000  }
0x54: {  	s0 =	sshra.s32 s0, $0x2;
	[sflag:s25] =	ssyncset.done $0x0  }
0x55: {  	s1 =	sadd.s32 $0x1400, s0;
	[sflag:s25] =	ssyncadd.s32 $0xFFFFC000  }
0x56: {  	[spmem:s2] =	stream.indirect.scatter.add.f32 [tilespmem:s20], [sflag:$0x3], $0x80, s1, s23, $0xb8;
	[tilespmem:$0x1E800] =	vst v63  }
0x57: {  	_ =	swait.ge [sflag:s21], $0x4000  }
0x58: {  	[sflag:s21] =	ssyncset.done $0x0  }
0x59: {  	s1 =	sadd.s32 $0x100, s0;
	[sflag:s21] =	ssyncadd.s32 $0xFFFFC000  }
0x5a: {  	[tilespmem:s20], [sflag:$0x1] =	stream.indirect.gather [hbm4b:s4+s23], $0x80, s1, s23, $0xb8;
	[tilespmem:$0x1E800] =	vst v63  }
0x5b: {  	_ =	swait.ge [sflag:s26], $0x4000  }
0x5c: {  	[sflag:s26] =	ssyncset.done $0x0  }
.Ltmp1:
0x5d: {  	s1 =	sadd.s32 $0x1480, s0;
	[sflag:s26] =	ssyncadd.s32 $0xFFFFC000;
	(pc) =	sbr.rel @p0 .LBB2_4-.Ltmp1, $4  }
0x5e: {  	[spmem:s2] =	stream.indirect.scatter.add.f32 [tilespmem:s24], [sflag:$0x3], $0x80, s1, s23, $0xb8;
	[tilespmem:$0x1E800] =	vst v63  }
0x5f: {  	_ =	swait.ge [sflag:s21], $0x4000  }
0x60: {  	[sflag:s21] =	ssyncset.done $0x0  }
0x61: {  	s0 =	sadd.s32 $0x180, s0;
	[sflag:s21] =	ssyncadd.s32 $0xFFFFC000  }
0x62: {  	[tilespmem:s24], [sflag:$0x2] =	stream.indirect.gather [hbm4b:s4+s23], $0x80, s0, s23, $0xb8;
	[tilespmem:$0x1E800] =	vst v63  }
0x63: {  	_ =	swait.ge [sflag:s25], $0x4000  }
0x64: {  	[sflag:s25] =	ssyncset.done $0x0  }
0x65: {  	[sflag:s25] =	ssyncadd.s32 $0xFFFFC000  }
0x66: {  	[spmem:s2] =	stream.indirect.scatter.add.f32 [tilespmem:s20], [sflag:$0x3], $0x80, s28, s23, $0xb8;
	[tilespmem:$0x1E800] =	vst v63  }
0x67: {  	_ =	swait.ge [sflag:s21], $0x4000  }
0x68: {  	[sflag:s21] =	ssyncset.done $0x0  }
0x69: {  	[sflag:s21] =	ssyncadd.s32 $0xFFFFC000  }
0x6a: {  	_ =	swait.ge [sflag:s26], $0x4000  }
0x6b: {  	[sflag:s26] =	ssyncset.done $0x0  }
0x6c: {  	[sflag:s26] =	ssyncadd.s32 $0xFFFFC000  }
0x6d: {  	[spmem:s2] =	stream.indirect.scatter.add.f32 [tilespmem:s24], [sflag:$0x3], $0x80, s29, s23, $0xb8;
	[tilespmem:$0x1E800] =	vst v63  }
0x6e: {  	_ =	swait.ge [sflag:s21], $0x4000  }
0x6f: {  	[sflag:s21] =	ssyncset.done $0x0  }
0x70: {  	s1 =	simm.s32 $0x0;
	[sflag:s21] =	ssyncadd.s32 $0xFFFFC000  }
0x71: {  	[tilespmem:s1], [sflag:$0x3] =	stream.linear.gather [hbm4b:s18+s1], $0x1400, $0x38;
	[tilespmem:$0x1E800] =	vst v63  }
0x72: {  	_ =	swait.ge [sflag:s21], $0x1400  }
0x73: {  	[sflag:s21] =	ssyncset.done $0x0  }
0x74: {  	[sflag:s21] =	ssyncadd.s32 $0xFFFFEC00  }
0x75: {  	[tilespmem:s22], [sflag:$0x3] =	stream.linear.gather [hbm4b:s19+s1], $0x1400, $0x38;
	[tilespmem:$0x1E800] =	vst v63  }
0x76: {  	_ =	swait.ge [sflag:s21], $0x1400  }
0x77: {  	[sflag:s21] =	ssyncset.done $0x0  }
0x78: {  	[sflag:s21] =	ssyncadd.s32 $0xFFFFEC00  }
0x79: {  	[tilespmem:s20], [sflag:$0x1] =	stream.indirect.gather [hbm4b:s4+s23], $0x80, s1, s23, $0xb8;
	[tilespmem:$0x1E800] =	vst v63  }
0x7a: {  	_ = 	snop  }
0x7b: {  	[tilespmem:s24], [sflag:$0x2] =	stream.indirect.gather [hbm4b:s4+s23], $0x80, s23, s23, $0xb8;
	[tilespmem:$0x1E800] =	vst v63  }
0x7c: {  	_ =	swait.ge [sflag:s25], $0x4000  }
0x7d: {  	[sflag:s25] =	ssyncset.done $0x0  }
0x7e: {  	s10 =	simm.s32 $0x1400;
	[sflag:s25] =	ssyncadd.s32 $0xFFFFC000  }
0x7f: {  	[spmem:s2] =	stream.indirect.scatter.add.f32 [tilespmem:s20], [sflag:$0x3], $0x80, s10, s23, $0xb8;
	[tilespmem:$0x1E800] =	vst v63  }
0x80: {  	_ =	swait.ge [sflag:s21], $0x4000  }
0x81: {  	[sflag:s21] =	ssyncset.done $0x0  }
0x82: {  	s1 =	simm.s32 $0x100;
	[sflag:s21] =	ssyncadd.s32 $0xFFFFC000  }
0x83: {  	[tilespmem:s20], [sflag:$0x1] =	stream.indirect.gather [hbm4b:s4+s23], $0x80, s1, s23, $0xb8;
	[tilespmem:$0x1E800] =	vst v63  }
0x84: {  	_ =	swait.ge [sflag:s26], $0x4000  }
0x85: {  	[sflag:s26] =	ssyncset.done $0x0  }
0x86: {  	s10 =	simm.s32 $0x1480;
	[sflag:s26] =	ssyncadd.s32 $0xFFFFC000  }
0x87: {  	[spmem:s2] =	stream.indirect.scatter.add.f32 [tilespmem:s24], [sflag:$0x3], $0x80, s10, s23, $0xb8;
	[tilespmem:$0x1E800] =	vst v63  }
0x88: {  	_ =	swait.ge [sflag:s21], $0x4000  }
0x89: {  	[sflag:s21] =	ssyncset.done $0x0  }
0x8a: {  	s31 =	simm.s32 $0x400;
	s0 =	simm.s32 $0x180;
	[sflag:s21] =	ssyncadd.s32 $0xFFFFC000  }
.LBB2_6:
0x8b: {  	[tilespmem:s24], [sflag:$0x2] =	stream.indirect.gather [hbm4b:s4+s23], $0x80, s0, s23, $0xb8;
	[tilespmem:$0x1E800] =	vst v63  }
0x8c: {  	s0 =	smov.u32 s31  }
0x8d: {  	p0 =	sne.s32 s31, $0x4800;
	s31 =	sadd.s32 $0x400, s31;
	_ =	swait.ge [sflag:s25], $0x4000  }
0x8e: {  	s0 =	sshra.s32 s0, $0x2;
	[sflag:s25] =	ssyncset.done $0x0  }
0x8f: {  	s1 =	sadd.s32 $0x1400, s0;
	[sflag:s25] =	ssyncadd.s32 $0xFFFFC000  }
0x90: {  	[spmem:s2] =	stream.indirect.scatter.add.f32 [tilespmem:s20], [sflag:$0x3], $0x80, s1, s23, $0xb8;
	[tilespmem:$0x1E800] =	vst v63  }
0x91: {  	_ =	swait.ge [sflag:s21], $0x4000  }
0x92: {  	[sflag:s21] =	ssyncset.done $0x0  }
0x93: {  	s1 =	sadd.s32 $0x100, s0;
	[sflag:s21] =	ssyncadd.s32 $0xFFFFC000  }
0x94: {  	[tilespmem:s20], [sflag:$0x1] =	stream.indirect.gather [hbm4b:s4+s23], $0x80, s1, s23, $0xb8;
	[tilespmem:$0x1E800] =	vst v63  }
0x95: {  	_ =	swait.ge [sflag:s26], $0x4000  }
0x96: {  	[sflag:s26] =	ssyncset.done $0x0  }
.Ltmp2:
0x97: {  	s1 =	sadd.s32 $0x1480, s0;
	[sflag:s26] =	ssyncadd.s32 $0xFFFFC000;
	(pc) =	sbr.rel @p0 .LBB2_6-.Ltmp2, $4  }
0x98: {  	[spmem:s2] =	stream.indirect.scatter.add.f32 [tilespmem:s24], [sflag:$0x3], $0x80, s1, s23, $0xb8;
	[tilespmem:$0x1E800] =	vst v63  }
0x99: {  	_ =	swait.ge [sflag:s21], $0x4000  }
0x9a: {  	[sflag:s21] =	ssyncset.done $0x0  }
0x9b: {  	s0 =	sadd.s32 $0x180, s0;
	[sflag:s21] =	ssyncadd.s32 $0xFFFFC000  }
0x9c: {  	[tilespmem:s24], [sflag:$0x2] =	stream.indirect.gather [hbm4b:s4+s23], $0x80, s0, s23, $0xb8;
	[tilespmem:$0x1E800] =	vst v63  }
0x9d: {  	_ =	swait.ge [sflag:s25], $0x4000  }
0x9e: {  	[sflag:s25] =	ssyncset.done $0x0  }
0x9f: {  	[sflag:s25] =	ssyncadd.s32 $0xFFFFC000  }
0xa0: {  	[spmem:s2] =	stream.indirect.scatter.add.f32 [tilespmem:s20], [sflag:$0x3], $0x80, s28, s23, $0xb8;
	[tilespmem:$0x1E800] =	vst v63  }
0xa1: {  	_ =	swait.ge [sflag:s21], $0x4000  }
0xa2: {  	[sflag:s21] =	ssyncset.done $0x0  }
0xa3: {  	[sflag:s21] =	ssyncadd.s32 $0xFFFFC000  }
0xa4: {  	_ =	swait.ge [sflag:s26], $0x4000  }
0xa5: {  	[sflag:s26] =	ssyncset.done $0x0  }
0xa6: {  	[sflag:s26] =	ssyncadd.s32 $0xFFFFC000  }
0xa7: {  	[spmem:s2] =	stream.indirect.scatter.add.f32 [tilespmem:s24], [sflag:$0x3], $0x80, s29, s23, $0xb8;
	[tilespmem:$0x1E800] =	vst v63  }
0xa8: {  	_ =	swait.ge [sflag:s21], $0x4000  }
0xa9: {  	[sflag:s21] =	ssyncset.done $0x0  }
0xaa: {  	[sflag:s21] =	ssyncadd.s32 $0xFFFFC000  }
0xab: {  	[bflag:$0x0] =	sbarrier.arrive $0xFFFF  }
0xac: {  	[tilespmem:s20], [sflag:$0x3] =	stream.linear.gather [spmem:s5], $0x4000, $0x38;
	[tilespmem:$0x1E800] =	vst v63  }
0xad: {  	_ =	swait.ge [sflag:s21], $0x4000  }
0xae: {  	[sflag:s21] =	ssyncset.done $0x0  }
0xaf: {  	s31 =	rddreg [dreg:$0x4];
	[sflag:s21] =	ssyncadd.s32 $0xFFFFC000  }
0xb0: {  	[hbm4b:s31+s3] =	stream.linear.scatter [tilespmem:s20], [sflag:$0x1], $0x4000, $0x38;
	[tilespmem:$0x1E800] =	vst v63  }
0xb1: {  	_ = 	snop  }
0xb2: {  	[tilespmem:s24], [sflag:$0x3] =	stream.linear.gather [spmem:s6], $0x4000, $0x38;
	[tilespmem:$0x1E800] =	vst v63  }
0xb3: {  	_ =	swait.ge [sflag:s21], $0x4000  }
0xb4: {  	[sflag:s21] =	ssyncset.done $0x0  }
0xb5: {  	[sflag:s21] =	ssyncadd.s32 $0xFFFFC000  }
0xb6: {  	[hbm4b:s11+s3] =	stream.linear.scatter [tilespmem:s24], [sflag:$0x2], $0x4000, $0x38;
	[tilespmem:$0x1E800] =	vst v63  }
0xb7: {  	_ =	swait.ge [sflag:s25], $0x4000  }
0xb8: {  	[sflag:s25] =	ssyncset.done $0x0  }
0xb9: {  	[sflag:s25] =	ssyncadd.s32 $0xFFFFC000  }
0xba: {  	[tilespmem:s20], [sflag:$0x3] =	stream.linear.gather [spmem:s7], $0x4000, $0x38;
	[tilespmem:$0x1E800] =	vst v63  }
0xbb: {  	_ =	swait.ge [sflag:s21], $0x4000  }
0xbc: {  	[sflag:s21] =	ssyncset.done $0x0  }
0xbd: {  	[sflag:s21] =	ssyncadd.s32 $0xFFFFC000  }
0xbe: {  	[hbm4b:s12+s3] =	stream.linear.scatter [tilespmem:s20], [sflag:$0x1], $0x4000, $0x38;
	[tilespmem:$0x1E800] =	vst v63  }
0xbf: {  	_ =	swait.ge [sflag:s26], $0x4000  }
0xc0: {  	[sflag:s26] =	ssyncset.done $0x0  }
0xc1: {  	[sflag:s26] =	ssyncadd.s32 $0xFFFFC000  }
0xc2: {  	[tilespmem:s24], [sflag:$0x3] =	stream.linear.gather [spmem:s8], $0x4000, $0x38;
	[tilespmem:$0x1E800] =	vst v63  }
0xc3: {  	_ =	swait.ge [sflag:s21], $0x4000  }
0xc4: {  	[sflag:s21] =	ssyncset.done $0x0  }
0xc5: {  	[sflag:s21] =	ssyncadd.s32 $0xFFFFC000  }
0xc6: {  	[hbm4b:s13+s3] =	stream.linear.scatter [tilespmem:s24], [sflag:$0x2], $0x4000, $0x38;
	[tilespmem:$0x1E800] =	vst v63  }
0xc7: {  	_ =	swait.ge [sflag:s25], $0x4000  }
0xc8: {  	[sflag:s25] =	ssyncset.done $0x0  }
0xc9: {  	[sflag:s25] =	ssyncadd.s32 $0xFFFFC000  }
0xca: {  	[tilespmem:s20], [sflag:$0x3] =	stream.linear.gather [spmem:s9], $0x4000, $0x38;
	[tilespmem:$0x1E800] =	vst v63  }
0xcb: {  	_ =	swait.ge [sflag:s21], $0x4000  }
0xcc: {  	[sflag:s21] =	ssyncset.done $0x0  }
0xcd: {  	s30 =	sadd.s32 $0x1, s30;
	[sflag:s21] =	ssyncadd.s32 $0xFFFFC000  }
0xce: {  	[hbm4b:s15+s3] =	stream.linear.scatter [tilespmem:s20], [sflag:$0x1], $0x4000, $0x38;
	[tilespmem:$0x1E800] =	vst v63  }
0xcf: {  	p0 =	sne.s32 s30, s16;
	_ =	swait.ge [sflag:s26], $0x4000  }
.Ltmp3:
0xd0: {  	[sflag:s26] =	ssyncset.done $0x0;
	(pc) =	sbr.rel @p0 .LBB2_1-.Ltmp3, $4  }
0xd1: {  	[sflag:s26] =	ssyncadd.s32 $0xFFFFC000  }
0xd2: {  	_ =	swait.ge [sflag:s25], $0x4000  }
0xd3: {  	[sflag:s25] =	ssyncset.done $0x0  }
0xd4: {  	[sflag:s25] =	ssyncadd.s32 $0xFFFFC000  }
0xd5: {  	_ =	sfence.sel $0x180000  }
0xd6: {  	[bflag:$0x0] =	sbarrier.arrive $0xFFFF  }
0xd7: {  	_ =	strace $0x9000004A  }
0xd8: {  	s0 =	stileid.u32;
	[bflag:$0x2] =	sbarrier.arrive $0xFFFF  }
0xd9: {  	p0 =	sne.s32 s0, $0x0;
	s0 =	rddreg [dreg:$0x3]  }
0xda: {  	s0 =	sadd.s32 @!p0 $0x100000, s0  }
0xdb: {  	[sflag:s0] =	ssyncadd.tile.s32 @!p0 $0x1;
	_ =	shalt  }
.Lfunc_end2:
_tile_overlayer_lowered:
.L_overlay_start_2:
0xdc: {  	(tag) =	ssettag $0x2  }
0xdd: {  	s0 =	rddreg [dreg:$0x0];
	s2 =	stileid.u32  }
0xde: {  	s1 =	rddreg [dreg:$0x1];
	p0 =	sne.s32 s2, $0x0  }
0xdf: {  	s3 =	rddreg [dreg:$0x2];
	[bflag:$0x3] =	sbarrier.arrive $0xFFFF;
	s2 =	simm.s32 @!p0 $0x1C03  }
0xe0: {  	[timem:s3], [sflag:s2] =	dma.local @!p0 [hbm:s0], s1  }
0xe1: {  	s0 =	simm.s32 @!p0 $0x3  }
0xe2: {  	_ =	swait.ge @!p0 [sflag:s0], s1  }
0xe3: {  	s1 =	ssub.s32 @!p0 $0x0, s1;
	[sflag:s0] =	ssyncset.done @!p0 $0x0  }
0xe4: {  	[sflag:s0] =	ssyncadd.s32 @!p0 s1  }
0xe5: {  	[bflag:$0x3] =	sbarrier.arrive $0xFFFF  }
0xe6: {  	_ =	shalt  }

// kernel: kernel.7.cloned.1.call-start
scs
__scs_entry_jumppad:
0x0: {  	(pc) =	sbr.rel $0x88, $3  }
0x1: {  	(tag) =	ssettag $0x0;
	lr =	simm.s32 $0x1  }
0x2: {  	[smem:$0x3F9D] =	sst lr;
	_ =	strace $0xD0000000  }
0x3: {  	_ = 	snop  }
0x4: {  	_ = 	snop  }
0x5: {  	_ = 	snop  }
0x6: {  	_ = 	snop  }
0x7: {  	_ = 	snop  }
__scs_overlays_trampoline_lowered:
0x8: {  	[smem:$0x3FAC] =	sst s0  }
0x9: {  	[smem:$0x3FAD] =	sst s1  }
0xa: {  	[smem:$0x3FAE] =	sst s2  }
0xb: {  	[smem:$0x3FAF] =	sst s3  }
0xc: {  	[smem:$0x3FB0] =	sst s4  }
0xd: {  	[smem:$0x3FB1] =	sst s5  }
0xe: {  	[smem:$0x3FB2] =	sst s6  }
0xf: {  	[smem:$0x3FB3] =	sst s7  }
0x10: {  	[smem:$0x3FB4] =	sst s8  }
0x11: {  	[smem:$0x3FB5] =	sst s9;
	s0 =	simm.s32 @!p0 $0x0  }
0x12: {  	s1 =	sld [smem:$0x3F9B];
	s0 =	simm.s32 @p0 $0x1  }
0x13: {  	[smem:$0x3FB6] =	sst s0;
	s0 =	simm.s32 @!p1 $0x0  }
0x14: {  	s2 =	sld [smem:$0x3F9A];
	s0 =	simm.s32 @p1 $0x1  }
0x15: {  	[smem:$0x3FB7] =	sst s0;
	s0 =	simm.s32 @!p2 $0x0  }
0x16: {  	s3 =	sld [smem:$0x3FDB];
	s0 =	simm.s32 @p2 $0x1  }
0x17: {  	s4 =	simm.s32 $0x1BF5;
	[smem:$0x3FB9] =	sst s0  }
0x18: {  	s0 =	sld [smem:$0x3F9C];
	_ =	swait.ge [sflag:s4], $0x0  }
0x19: {  	s7 =	sld [smem:$0x3F9D]  }
0x1a: {  	s8 =	sadd.s32 $0xFFFFE003, lr  }
0x1b: {  	s9 =	sadd.s32 $0xFFFFFEF7, lr;
	s5 =	simm.s32 $0xFFFFFFFF;
	p2 =	slt.u32 s8, $0xFFFFF086  }
0x1c: {  	p1 =	slt.u32 s9, $0xF7A;
	s5 =	simm.s32 @!p2 $0x0  }
0x1d: {  	s5 =	simm.s32 @p1 $0x1;
	p0 =	seq.s32 s7, s2  }
0x1e: {  	s7 =	smul.u32 @!p0 $0xF7A, s2;
	p2 =	seq.s32 @!p0 s5, $0x0  }
0x1f: {  	s9 =	smul.u32 $0xF7A, s1;
	s8 =	simm.s32 @!p0 $0x1BF5;
	p2 =	por !p2, p0  }
0x20: {  	[sflag:s8] =	ssyncset.s32 @!p0 $0xFFFFF086;
	s6 =	sadd.s32 @!p0 s3, s7;
	s7 =	simm.s32 @!p0 $0x108  }
0x21: {  	s3 =	sadd.s32 s3, s9;
	s6 =	sadd.s32 @!p0 $0x88, s6;
	s7 =	simm.s32 @p2 $0x1082  }
0x22: {  	[simem:s7], [sflag:s8] =	dma.local @!p0 [hbm:s6], $0xF7A  }
0x23: {  	s9 =	sor.u32 $0xD0000000, s2;
	s6 =	simm.s32 $0x108;
	_ =	swait.ge @!p0 [sflag:s8], $0x0  }
0x24: {  	s3 =	sadd.s32 $0x88, s3;
	s6 =	simm.s32 @!p1 $0x1082;
	[sflag:s4] =	ssyncset.s32 $0xFFFFF086  }
0x25: {  	[simem:s6], [sflag:s4] =	dma.local [hbm:s3], $0xF7A  }
0x26: {  	[smem:$0x3F9D] =	sst s1;
	(tag) =	ssettag s2;
	_ =	strace s9  }
0x27: {  	s1 =	sld [smem:$0x3FAD]  }
0x28: {  	s2 =	sld [smem:$0x3FAE]  }
0x29: {  	s4 =	sld [smem:$0x3FB0]  }
0x2a: {  	p0 =	seq.s32 s5, $0x0;
	s5 =	sld [smem:$0x3FB1]  }
0x2b: {  	s6 =	sld [smem:$0x3FB2]  }
0x2c: {  	s7 =	sld [smem:$0x3FB3]  }
0x2d: {  	s3 =	simm.s32 $0x108;
	s8 =	sld [smem:$0x3FB4]  }
0x2e: {  	s3 =	simm.s32 @!p0 $0x1082;
	s9 =	sld [smem:$0x3FB5]  }
0x2f: {  	lr =	sadd.s32 s0, s3;
	s0 =	sld [smem:$0x3FAC]  }
0x30: {  	s3 =	sld [smem:$0x3FAF]  }
0x31: {  	[smem:$0x3FB8] =	sst s10  }
0x32: {  	s10 =	sld [smem:$0x3FB6];
	_ =	sdelay $0x3  }
0x33: {  	p0 =	seq.s32 s10, $0x1;
	s10 =	sld [smem:$0x3FB8];
	_ =	sdelay $0x3  }
0x34: {  	[smem:$0x3FB8] =	sst s10  }
0x35: {  	s10 =	sld [smem:$0x3FB7];
	_ =	sdelay $0x3  }
0x36: {  	p1 =	seq.s32 s10, $0x1;
	s10 =	sld [smem:$0x3FB8];
	_ =	sdelay $0x3  }
0x37: {  	[smem:$0x3FB8] =	sst s10  }
0x38: {  	s10 =	sld [smem:$0x3FB9]  }
0x39: {  	_ = 	snop;
	(pc) =	sbr.ind lr, $3  }
0x3a: {  	_ = 	snop  }
0x3b: {  	_ = 	snop  }
0x3c: {  	p2 =	seq.s32 s10, $0x1;
	s10 =	sld [smem:$0x3FB8]  }
0x3d: {  	_ =	shalt  }
0x3e: {  	_ =	shalt  }
0x3f: {  	_ =	shalt  }
0x40: {  	_ =	shalt  }
0x41: {  	_ =	shalt  }
0x42: {  	_ =	shalt  }
0x43: {  	_ =	shalt  }
0x44: {  	_ =	shalt  }
0x45: {  	_ =	shalt  }
0x46: {  	_ =	shalt  }
0x47: {  	_ =	shalt  }
0x48: {  	_ =	shalt  }
0x49: {  	_ =	shalt  }
0x4a: {  	_ =	shalt  }
0x4b: {  	_ =	shalt  }
0x4c: {  	_ =	shalt  }
0x4d: {  	_ =	shalt  }
0x4e: {  	_ =	shalt  }
0x4f: {  	_ =	shalt  }
0x50: {  	_ =	shalt  }
0x51: {  	_ =	shalt  }
0x52: {  	_ =	shalt  }
0x53: {  	_ =	shalt  }
0x54: {  	_ =	shalt  }
0x55: {  	_ =	shalt  }
0x56: {  	_ =	shalt  }
0x57: {  	_ =	shalt  }
0x58: {  	_ =	shalt  }
0x59: {  	_ =	shalt  }
0x5a: {  	_ =	shalt  }
0x5b: {  	_ =	shalt  }
0x5c: {  	_ =	shalt  }
0x5d: {  	_ =	shalt  }
0x5e: {  	_ =	shalt  }
0x5f: {  	_ =	shalt  }
0x60: {  	_ =	shalt  }
0x61: {  	_ =	shalt  }
0x62: {  	_ =	shalt  }
0x63: {  	_ =	shalt  }
0x64: {  	_ =	shalt  }
0x65: {  	_ =	shalt  }
0x66: {  	_ =	shalt  }
0x67: {  	_ =	shalt  }
0x68: {  	_ =	shalt  }
0x69: {  	_ =	shalt  }
0x6a: {  	_ =	shalt  }
0x6b: {  	_ =	shalt  }
0x6c: {  	_ =	shalt  }
0x6d: {  	_ =	shalt  }
0x6e: {  	_ =	shalt  }
0x6f: {  	_ =	shalt  }
0x70: {  	_ =	shalt  }
0x71: {  	_ =	shalt  }
0x72: {  	_ =	shalt  }
0x73: {  	_ =	shalt  }
0x74: {  	_ =	shalt  }
0x75: {  	_ =	shalt  }
0x76: {  	_ =	shalt  }
0x77: {  	_ =	shalt  }
0x78: {  	_ =	shalt  }
0x79: {  	_ =	shalt  }
0x7a: {  	_ =	shalt  }
0x7b: {  	_ =	shalt  }
0x7c: {  	_ =	shalt  }
0x7d: {  	_ =	shalt  }
0x7e: {  	_ =	shalt  }
0x7f: {  	_ =	shalt  }
0x80: {  	_ =	shalt  }
0x81: {  	_ =	shalt  }
0x82: {  	_ =	shalt  }
0x83: {  	_ =	shalt  }
0x84: {  	_ =	shalt  }
0x85: {  	_ =	shalt  }
0x86: {  	_ =	shalt  }
0x87: {  	_ =	shalt  }
.Lfunc_end0:
.L_simem_size_0:
called_computation_lowered:
.L_overlay_start_0:
0x88: {  	s2 =	sld [smem:$0x3FD9]  }
0x89: {  	s3 =	sld [smem:$0x3FFE];
	_ =	sdelay $0x1  }
0x8a: {  	s1 =	srdreg.scid  }
0x8b: {  	s0 =	sand.u32 $0x1, s1  }
0x8c: {  	s17 =	sshll.u32 s0, $0xA;
	s2 =	sadd.s32 s3, s2  }
0x8d: {  	s2 =	sadd.s32 s2, s17  }
0x8e: {  	[smem:$0x3FC4] =	sst s2  }
0x8f: {  	_ = 	snop  }
0x90: {  	s2 =	sld [smem:$0x3FD0];
	(tm) =	ssettm $0x1  }
0x91: {  	s18 =	sld [smem:$0x3FFB];
	_ =	sdelay $0x3  }
0x92: {  	_ =	strace s18  }
0x93: {  	s3 =	sld [smem:$0x3FFC];
	_ =	sdelay $0x3  }
0x94: {  	_ =	strace s3  }
0x95: {  	s3 =	sld [smem:$0x3FFD];
	_ =	sdelay $0x3  }
0x96: {  	_ =	strace s3  }
0x97: {  	_ =	strace $0x8FFFFFFF  }
0x98: {  	s19 =	sld [smem:$0x3FDB];
	_ =	sdelay $0x1  }
0x99: {  	s4 =	simm.s32 $_scs_section_size  }
0x9a: {  	s5 =	simm.s32 $_size__tile_overlayer_lowered;
	s6 =	simm.s32 $_tile_overlayer_lowered  }
0x9b: {  	s22 =	simm.s32 $0x1BFF;
	s21 =	sshll.u32 s6, $0x1;
	s3 =	sadd.s32 s4, s19  }
0x9c: {  	s7 =	simm.s32 $0x0;
	s20 =	sshll.u32 s5, $0x1;
	s5 =	sadd.s32 s21, s3  }
0x9d: {  	[timem:s7], [sflag:s22] =	dma.local [hbm:s5], s20  }
0x9e: {  	_ =	swait.ge [sflag:s22], s20  }
0x9f: {  	s4 =	ssub.s32 $0x0, s20;
	[sflag:s22] =	ssyncset.done $0x0  }
0xa0: {  	[sflag:s22] =	ssyncadd.s32 s4;
	_ =	sdelay $0x1  }
0xa1: {  	s23 =	simm.s32 $0x1B8B  }
0xa2: {  	_ =	swait.ge [sflag:s23], $0x1  }
0xa3: {  	[sflag:s23] =	ssyncset.done $0x0  }
0xa4: {  	s25 =	simm.s32 $0x1B8E;
	s24 =	sld [smem:$0x3FFE];
	[sflag:s23] =	ssyncadd.s32 $0xFFFFFFFF  }
0xa5: {  	s26 =	simm.s32 $execute0_lowered;
	[smem:$0x3FD2] =	sst s25  }
0xa6: {  	s5 =	sshll.u32 s26, $0x1;
	_ =	strace $0x80000046;
	[dreg:$0x1] =	wrdreg $0xFFFFFFFF  }
0xa7: {  	s28 =	simm.s32 $_size_execute0_lowered;
	s3 =	sadd.s32 s3, s5;
	[dreg:$0x0] =	wrdreg $0x0  }
0xa8: {  	s5 =	sshll.u32 s28, $0x1;
	[dreg:$0x2] =	wrdreg s3  }
0xa9: {  	[dreg:$0x3] =	wrdreg s5  }
0xaa: {  	[dreg:$0x4] =	wrdreg $0xC0  }
0xab: {  	_ =	task [dreg:s7], $0x5FFFF  }
0xac: {  	[dreg:$0x1] =	wrdreg $0xFFFFFFFF  }
0xad: {  	[dreg:$0x0] =	wrdreg $0x60  }
0xae: {  	[dreg:$0x2] =	wrdreg s2  }
0xaf: {  	[dreg:$0x3] =	wrdreg s24  }
0xb0: {  	[dreg:$0x4] =	wrdreg $0x2B000  }
0xb1: {  	[dreg:$0x5] =	wrdreg $0x9  }
0xb2: {  	_ =	task.clear_ibuf [dreg:s7], $0x6FFFF;
	_ =	strace $0x90000046  }
0xb3: {  	s29 =	simm.s32 $0x9;
	_ =	strace $0x80000048  }
0xb4: {  	_ =	swait.ge [sflag:s29], $0x1  }
0xb5: {  	[sflag:s29] =	ssyncadd.s32 $0xFFFFFFFF  }
0xb6: {  	_ =	strace $0x90000048  }
0xb7: {  	_ =	sfence  }
0xb8: {  	s30 =	sld [smem:$0x0];
	_ =	sdelay $0x2  }
0xb9: {  	s31 =	sshll.u32 s1, $0xD;
	s1 =	sshrl.u32 s1, $0x2  }
0xba: {  	s3 =	sand.u32 $0x4000, s31;
	s1 =	sadd.s32 s1, s30  }
0xbb: {  	s0 =	sor.u32 s3, s0;
	s1 =	sshll.u32 s1, $0x11  }
0xbc: {  	s0 =	sor.u32 s1, s0  }
0xbd: {  	s0 =	sadd.s32 $0x8F2B, s0  }
0xbe: {  	[sflag:s0] =	ssyncadd.remote.s32 $0x1  }
0xbf: {  	_ =	sfence.sel $0xFFFF  }
0xc0: {  	[dreg:$0x0] =	wrdreg $0xFFFFFFFF;
	(pc) =	sbr.abs _section_cstart, $3  }
0xc1: {  	[dreg:$0x1] =	wrdreg $0xFFFFFFFF  }
0xc2: {  	_ =	task.clear_ibuf [dreg:s7], $0x2FFFF;
	_ =	strace $0x9FFFFFFF  }
0xc3: {  	(tm) =	ssettm $0x7FFFFFFF  }
tec
execute0_lowered:
.L_overlay_start_1:
0x0: {  	(tag) =	ssettag $0x1  }
0x1: {  	s5 =	rddreg [dreg:$0x0]  }
0x2: {  	s4 =	rddreg [dreg:$0x1]  }
0x3: {  	s2 =	rddreg [dreg:$0x2]  }
0x4: {  	s0 =	rddreg [dreg:$0x3]  }
0x5: {  	s3 =	simm.s32 $0x0;
	s6 =	srdreg.scid;
	s1 =	stileid.u32  }
0x6: {  	s11 =	simm.s32 $0x2800;
	s12 =	simm.s32 $0x1;
	s13 =	simm.s32 $0x100  }
0x7: {  	s14 =	simm.s32 $0x0;
	[smem:$0x7FF] =	sst s3;
	s7 =	smul.u32 $0x500, s1  }
0x8: {  	s6 =	sand.u32 $0x1, s6;
	s30 =	smul.u32 $0xA00, s1;
	_ =	strace $0x80000047  }
0x9: {  	s8 =	sshll.u32 s6, $0x7;
	s9 =	sshll.u32 s6, $0x4;
	s6 =	ssub.s32 $0x2, s6  }
0xa: {  	s7 =	sor.u32 s8, s7;
	s29 =	sor.u32 s1, s9;
	s31 =	sshrl.u32 s6, $0x1  }
0xb: {  	s9 =	sshrl.u32 s30, $0x2;
	s7 =	sshrl.u32 s7, $0x3;
	s8 =	smul.u32 $0x500, s29  }
0xc: {  	s10 =	ssub.s32 s6, s31;
	s7 =	sadd.s32 s7, s4;
	s4 =	sadd.s32 s9, s2  }
0xd: {  	s9 =	simm.s32 $0x2;
	s5 =	sadd.s32 s5, s8;
	s6 =	sadd.s32 $0x1C00, s7  }
0xe: {  	v0 =	vimm.f32 $0.0e+00;
	v1 =	vimm.f32 $1.000000000e+00;
	s7 =	smax.u32 s10, $0x1;
	s8 =	simm.s32 $0x2880;
	s10 =	simm.s32 $0x80  }
.LBB2_1:
0xf: {  	[tilespmem:$0x2880] =	vst v0  }
0x10: {  	[tilespmem:$0x2890] =	vst v0  }
0x11: {  	[tilespmem:$0x28A0] =	vst v0  }
0x12: {  	[tilespmem:$0x28B0] =	vst v0  }
0x13: {  	[tilespmem:$0x28C0] =	vst v0  }
0x14: {  	[tilespmem:$0x28D0] =	vst v0  }
0x15: {  	[tilespmem:$0x28E0] =	vst v0  }
0x16: {  	[tilespmem:$0x28F0] =	vst v0  }
0x17: {  	[tilespmem:$0x2900] =	vst v0  }
0x18: {  	[tilespmem:$0x2910] =	vst v0  }
0x19: {  	[tilespmem:$0x2920] =	vst v0  }
0x1a: {  	[tilespmem:$0x2930] =	vst v0  }
0x1b: {  	[tilespmem:$0x2940] =	vst v0  }
0x1c: {  	[tilespmem:$0x2950] =	vst v0  }
0x1d: {  	[tilespmem:$0x2960] =	vst v0  }
0x1e: {  	[tilespmem:$0x2970] =	vst v0  }
0x1f: {  	[tilespmem:$0x2980] =	vst v0  }
0x20: {  	[tilespmem:$0x2990] =	vst v0  }
0x21: {  	[tilespmem:$0x29A0] =	vst v0  }
0x22: {  	[tilespmem:$0x29B0] =	vst v0  }
0x23: {  	[tilespmem:$0x29C0] =	vst v0  }
0x24: {  	[tilespmem:$0x29D0] =	vst v0  }
0x25: {  	[tilespmem:$0x29E0] =	vst v0  }
0x26: {  	[tilespmem:$0x29F0] =	vst v0  }
0x27: {  	[tilespmem:$0x2A00] =	vst v0  }
0x28: {  	[tilespmem:$0x2A10] =	vst v0  }
0x29: {  	[tilespmem:$0x2A20] =	vst v0  }
0x2a: {  	[tilespmem:$0x2A30] =	vst v0  }
0x2b: {  	[tilespmem:$0x2A40] =	vst v0  }
0x2c: {  	[tilespmem:$0x2A50] =	vst v0  }
0x2d: {  	[tilespmem:$0x2A60] =	vst v0  }
0x2e: {  	[tilespmem:$0x2A70] =	vst v0  }
0x2f: {  	[tilespmem:$0x2A80] =	vst v0  }
0x30: {  	[tilespmem:$0x2A90] =	vst v0  }
0x31: {  	[tilespmem:$0x2AA0] =	vst v0  }
0x32: {  	[tilespmem:$0x2AB0] =	vst v0  }
0x33: {  	[tilespmem:$0x2AC0] =	vst v0  }
0x34: {  	[tilespmem:$0x2AD0] =	vst v0  }
0x35: {  	[tilespmem:$0x2AE0] =	vst v0  }
0x36: {  	[tilespmem:$0x2AF0] =	vst v0  }
0x37: {  	[tilespmem:$0x2800] =	vst v1  }
0x38: {  	[tilespmem:$0x2810] =	vst v1  }
0x39: {  	[tilespmem:$0x2820] =	vst v1  }
0x3a: {  	[tilespmem:$0x2830] =	vst v1  }
0x3b: {  	[tilespmem:$0x2840] =	vst v1  }
0x3c: {  	[tilespmem:$0x2850] =	vst v1  }
0x3d: {  	[tilespmem:$0x2860] =	vst v1  }
0x3e: {  	[tilespmem:$0x2870] =	vst v1  }
0x3f: {  	[spmem:s4] =	stream.linear.scatter [tilespmem:s8], [sflag:$0x2], $0x280, $0x38;
	[tilespmem:$0x2D80] =	vst v63  }
0x40: {  	_ =	swait.ge [sflag:s9], $0x280  }
0x41: {  	[sflag:s9] =	ssyncset.done $0x0  }
0x42: {  	[sflag:s9] =	ssyncadd.s32 $0xFFFFFD80  }
0x43: {  	[tilespmem:s3], [sflag:$0x2] =	stream.linear.gather [hbm4b:s5+s3], $0x2800, $0x38;
	[tilespmem:$0x2D80] =	vst v63  }
0x44: {  	_ =	swait.ge [sflag:s9], $0x2800  }
0x45: {  	[sflag:s9] =	ssyncset.done $0x0  }
0x46: {  	[sflag:s9] =	ssyncadd.s32 $0xFFFFD800  }
0x47: {  	s15 =	simm.s32 $0x0;
	[bflag:$0x0] =	sbarrier.arrive $0xFFFF  }
.LBB2_2:
0x48: {  	p0 =	sne.s32 s15, $0x9E00  }
.Ltmp0:
0x49: {  	_ = 	snop;
	(pc) =	sbr.rel @p0 .LBB2_2-.Ltmp0, $3  }
0x4a: {  	_ =	sdelay $0x1  }
0x4b: {  	s16 =	sshra.s32 s15, $0x2;
	s15 =	sadd.s32 $0x200, s15  }
0x4c: {  	[spmem:s2] =	stream.indirect.scatter.add.f32 [tilespmem:s11], [sflag:$0x1], $0x1, s16, s10, $0xb8;
	[tilespmem:$0x2D80] =	vst v63  }
0x4d: {  	_ =	swait.ge [sflag:s12], $0x80  }
0x4e: {  	s15 =	simm.s32 $0x4F;
	[sflag:s12] =	ssyncset.done $0x0  }
.LBB2_4:
0x4f: {  	p0 =	sne.s32 s15, $0x1;
	s15 =	sadd.s32 $0xFFFFFFFF, s15;
	[sflag:s12] =	ssyncadd.s32 $0xFFFFFF80  }
.Ltmp1:
0x50: {  	(pc) =	sbr.rel @p0 .LBB2_4-.Ltmp1, $3  }
0x51: {  	_ =	sdelay $0x1  }
0x52: {  	_ =	swait.ge [sflag:s12], $0x80  }
0x53: {  	[sflag:s12] =	ssyncset.done $0x0  }
0x54: {  	[sflag:s12] =	ssyncadd.s32 $0xFFFFFF80  }
0x55: {  	[bflag:$0x0] =	sbarrier.arrive $0xFFFF  }
0x56: {  	[tilespmem:s8], [sflag:$0x2] =	stream.linear.gather [spmem:s4], $0x280, $0x38;
	[tilespmem:$0x2D80] =	vst v63  }
0x57: {  	s14 =	sadd.s32 $0x1, s14;
	_ =	swait.ge [sflag:s9], $0x280  }
0x58: {  	p0 =	sne.s32 s14, s7;
	[sflag:s9] =	ssyncset.done $0x0  }
.Ltmp2:
0x59: {  	[sflag:s9] =	ssyncadd.s32 $0xFFFFFD80;
	(pc) =	sbr.rel @p0 .LBB2_1-.Ltmp2, $4  }
0x5a: {  	[hbm4b:s6+s10] =	stream.strided.scatter [tilespmem:s8], [sflag:$0x2], $0x280, s13, s10, $0x38;
	[tilespmem:$0x2D80] =	vst v63  }
0x5b: {  	_ =	swait.ge [sflag:s9], $0x280  }
0x5c: {  	[sflag:s9] =	ssyncset.done $0x0  }
0x5d: {  	[sflag:s9] =	ssyncadd.s32 $0xFFFFFD80  }
0x5e: {  	_ =	sfence.sel $0x180000  }
0x5f: {  	[bflag:$0x0] =	sbarrier.arrive $0xFFFF  }
0x60: {  	p0 =	sne.s32 s1, $0x0;
	_ =	strace $0x90000047  }
0x61: {  	s0 =	sadd.s32 @!p0 $0x100000, s0;
	[bflag:$0x2] =	sbarrier.arrive $0xFFFF  }
0x62: {  	[sflag:s0] =	ssyncadd.tile.s32 @!p0 $0x1;
	_ =	shalt  }
.Lfunc_end2:
_tile_overlayer_lowered:
.L_overlay_start_2:
0x63: {  	(tag) =	ssettag $0x2  }
0x64: {  	s0 =	rddreg [dreg:$0x0];
	s2 =	stileid.u32  }
0x65: {  	s1 =	rddreg [dreg:$0x1];
	p0 =	sne.s32 s2, $0x0  }
0x66: {  	s3 =	rddreg [dreg:$0x2];
	[bflag:$0x3] =	sbarrier.arrive $0xFFFF;
	s2 =	simm.s32 @!p0 $0x1C02  }
0x67: {  	[timem:s3], [sflag:s2] =	dma.local @!p0 [hbm:s0], s1  }
0x68: {  	s0 =	simm.s32 @!p0 $0x2  }
0x69: {  	_ =	swait.ge @!p0 [sflag:s0], s1  }
0x6a: {  	s1 =	ssub.s32 @!p0 $0x0, s1;
	[sflag:s0] =	ssyncset.done @!p0 $0x0  }
0x6b: {  	[sflag:s0] =	ssyncadd.s32 @!p0 s1  }
0x6c: {  	[bflag:$0x3] =	sbarrier.arrive $0xFFFF  }
0x6d: {  	_ =	shalt  }

</sc_bundles>
